<compile_context>
chip_gen: v7x
topology: tpu7x:2x2x1
jax: 0.10.2.dev20260603
libtpu: 0.0.44.dev20260713+nightly
codegen_flags: <defaults>
</compile_context>

<pallas_src>
import functools

import jax
import jax.numpy as jnp
from jax import lax
from jax.experimental import pallas as pl
from jax.experimental.pallas import tpu as pltpu
from jax.experimental.pallas import tpu_sc as plsc

EMBED = 128
NC, NS = 2, 16
NW = NC * NS
CHUNK = 128
NBUF = 4


def kernel(input_seq, table):
    B, L = input_seq.shape
    total = B * L
    b_per_w = total // NW
    n_chunks = b_per_w // CHUNK
    ngroups = n_chunks // NBUF
    idx = input_seq.reshape(NW, n_chunks, CHUNK).astype(jnp.int32)

    mesh = plsc.VectorSubcoreMesh(core_axis_name="c", subcore_axis_name="s")

    @functools.partial(
        pl.kernel,
        mesh=mesh,
        out_type=jax.ShapeDtypeStruct((NW, b_per_w, EMBED), jnp.float32),
        scratch_types=[
            pltpu.VMEM((n_chunks, CHUNK), jnp.int32),
            pltpu.VMEM((NBUF, CHUNK, EMBED), jnp.float32),
        ]
        + [pltpu.SemaphoreType.DMA] * (2 * NBUF),
    )
    def emb_kernel(idx_hbm, table_hbm, out_hbm, idx_v, rows_v, *sems):
        gsems, wsems = sems[:NBUF], sems[NBUF:]
        wid = lax.axis_index("s") * NC + lax.axis_index("c")
        pltpu.sync_copy(idx_hbm.at[wid], idx_v)

        def gather(j, b):
            return pltpu.make_async_copy(
                table_hbm.at[idx_v.at[j]], rows_v.at[b], gsems[b])

        def write(j, b):
            return pltpu.make_async_copy(
                rows_v.at[b], out_hbm.at[wid, pl.ds(j * CHUNK, CHUNK)],
                wsems[b])

        for b in range(NBUF):
            gather(b, b).start()

        def group(g, carry):
            j0 = g * NBUF
            for b in range(NBUF):
                gather(j0 + b, b).wait()
                write(j0 + b, b).start()

            @pl.when(g + 1 < ngroups)
            def _():
                for b in range(NBUF):
                    write(j0 + b, b).wait()
                    gather(j0 + NBUF + b, b).start()

            return carry

        lax.fori_loop(0, ngroups, group, 0)

        for b in range(NBUF):
            write((ngroups - 1) * NBUF + b, b).wait()

    out = emb_kernel(idx, table)
    return out.reshape(B, L, EMBED)

# --- scband reference (transcript-rebuilt; emitter-appended) ---
"""Pipeline reference for scband-baisc-embedder-3307124817966 (READ-ONLY COPY).

The authoritative reference and input builder live on the scoring server;
editing this copy changes nothing except your own understanding.
"""

import jax, jax.numpy as jnp
import numpy as np

VOCAB = 100000
EMBED = 128
PAD_IDX = 0

def setup_inputs(seed: int = 0) -> dict:
    key = jax.random.key(seed)
    k_idx, k_tab = jax.random.split(key)
    input_seq = jax.random.randint(k_idx, (4096, 200), 0, VOCAB, dtype=jnp.int64 if jax.config.jax_enable_x64 else jnp.int32)
    table = jax.random.normal(k_tab, (VOCAB, EMBED), dtype=jnp.float32)
    # padding_idx row is zero, matching nn.Embedding(padding_idx=0)
    table = table.at[PAD_IDX].set(0.0)
    return {"input_seq": input_seq, "table": table}

def reference(input_seq, table):
    # Embedding lookup (gather). Dropout is identity in eval/inference mode.
    emb = jnp.take(table, input_seq, axis=0)  # [B, L, E]
    return emb

if __name__ == "__main__":
    import jax
    _d = setup_inputs()
    print(jax.jit(kernel)(*tuple(_d.values())))

</pallas_src>

<mosaic_0001>
#map = affine_map<(d0, d1) -> (0, 0, 0)>
#map1 = affine_map<(d0, d1) -> (0, 0)>
module attributes {stable_mosaic.version = 14 : i64} {
  func.func @emb_kernel(%arg0: i32, %arg1: i32, %arg2: memref<32x200x128xi32, #tpu.memory_space<hbm>>, %arg3: memref<100000x128xf32, #tpu.memory_space<hbm>>, %arg4: memref<32x25600x128xf32, #tpu.memory_space<hbm>>, %arg5: memref<200x128xi32, #tpu.memory_space<vmem>>, %arg6: memref<4x128x128xf32, #tpu.memory_space<vmem>>, %arg7: memref<!tpu.dma_semaphore, #tpu.memory_space<semaphore_mem>>, %arg8: memref<!tpu.dma_semaphore, #tpu.memory_space<semaphore_mem>>, %arg9: memref<!tpu.dma_semaphore, #tpu.memory_space<semaphore_mem>>, %arg10: memref<!tpu.dma_semaphore, #tpu.memory_space<semaphore_mem>>, %arg11: memref<!tpu.dma_semaphore, #tpu.memory_space<semaphore_mem>>, %arg12: memref<!tpu.dma_semaphore, #tpu.memory_space<semaphore_mem>>, %arg13: memref<!tpu.dma_semaphore, #tpu.memory_space<semaphore_mem>>, %arg14: memref<!tpu.dma_semaphore, #tpu.memory_space<semaphore_mem>>) attributes {dimension_semantics = [#tpu.dimension_semantics<core_parallel>, #tpu.dimension_semantics<subcore_parallel>], iteration_bounds = array<i64: 2, 16>, scalar_prefetch = 0 : i64, scratch_operands = 10 : i64, tpu.core_type = #tpu.core_type<sc_vector_subcore>, window_params = [{transform_indices = #map}, {transform_indices = #map1}, {transform_indices = #map}]} {
    %mul3A = arith.constant 2 : i32
    %mul3A_0 = arith.muli %arg1, %mul3A : i32
    %add3A = arith.addi %mul3A_0, %arg0 : i32
    "tpu.region"() ({
      %run_scoped3A = tpu.sem_alloc : memref<!tpu.dma_semaphore, #tpu.memory_space<semaphore_mem>>
      %dma_start3A_120 = arith.constant 0 : i32
      %dma_start3A_121 = arith.constant 0 : i32
      %dma_start3A_122 = tpu.memref_slice %arg2[%add3A, %dma_start3A_120, %dma_start3A_121] : memref<32x200x128xi32, #tpu.memory_space<hbm>> -> memref<1x200x128xi32, #tpu.memory_space<hbm>>
      %dma_start3A_123 = tpu.memref_squeeze %dma_start3A_122 : memref<1x200x128xi32, #tpu.memory_space<hbm>> -> memref<200x128xi32, #tpu.memory_space<hbm>>
      %dma_start3A_124 = arith.constant 0 : i32
      %dma_start3A_125 = arith.constant 0 : i32
      %dma_start3A_126 = tpu.memref_slice %arg2[%add3A, %dma_start3A_124, %dma_start3A_125] : memref<32x200x128xi32, #tpu.memory_space<hbm>> -> memref<1x200x128xi32, #tpu.memory_space<hbm>>
      %dma_start3A_127 = tpu.memref_squeeze %dma_start3A_126 : memref<1x200x128xi32, #tpu.memory_space<hbm>> -> memref<200x128xi32, #tpu.memory_space<hbm>>
      tpu.enqueue_dma source(%dma_start3A_127 : memref<200x128xi32, #tpu.memory_space<hbm>>) target(%arg5 : memref<200x128xi32, #tpu.memory_space<vmem>>) target_semaphore(%run_scoped3A : memref<!tpu.dma_semaphore, #tpu.memory_space<semaphore_mem>>)
      %dma_wait3A_128 = arith.constant 0 : i32
      %dma_wait3A_129 = arith.constant 0 : i32
      %dma_wait3A_130 = tpu.memref_slice %arg2[%add3A, %dma_wait3A_128, %dma_wait3A_129] : memref<32x200x128xi32, #tpu.memory_space<hbm>> -> memref<1x200x128xi32, #tpu.memory_space<hbm>>
      %dma_wait3A_131 = tpu.memref_squeeze %dma_wait3A_130 : memref<1x200x128xi32, #tpu.memory_space<hbm>> -> memref<200x128xi32, #tpu.memory_space<hbm>>
      %dma_wait3A_132 = arith.constant 0 : i32
      %dma_wait3A_133 = arith.constant 0 : i32
      %dma_wait3A_134 = tpu.memref_slice %arg2[%add3A, %dma_wait3A_132, %dma_wait3A_133] : memref<32x200x128xi32, #tpu.memory_space<hbm>> -> memref<1x200x128xi32, #tpu.memory_space<hbm>>
      %dma_wait3A_135 = tpu.memref_squeeze %dma_wait3A_134 : memref<1x200x128xi32, #tpu.memory_space<hbm>> -> memref<200x128xi32, #tpu.memory_space<hbm>>
      tpu.wait_dma2 semaphore(%run_scoped3A : memref<!tpu.dma_semaphore, #tpu.memory_space<semaphore_mem>>) src(%dma_wait3A_135 : memref<200x128xi32, #tpu.memory_space<hbm>>) dst(%arg5 : memref<200x128xi32, #tpu.memory_space<vmem>>)
      tpu.yield
    }) : () -> ()
    %dma_start3A = arith.constant 0 : i32
    %dma_start3A_1 = arith.constant 0 : i32
    %dma_start3A_2 = arith.constant 0 : i32
    %dma_start3A_3 = arith.constant 0 : i32
    %dma_start3A_4 = tpu.memref_slice %arg6[%dma_start3A_1, %dma_start3A_2, %dma_start3A_3] : memref<4x128x128xf32, #tpu.memory_space<vmem>> -> memref<1x128x128xf32, #tpu.memory_space<vmem>>
    %dma_start3A_5 = tpu.memref_squeeze %dma_start3A_4 : memref<1x128x128xf32, #tpu.memory_space<vmem>> -> memref<128x128xf32, #tpu.memory_space<vmem>>
    %dma_start3A_6 = arith.constant 0 : i32
    %dma_start3A_7 = tpu.memref_slice %arg5[%dma_start3A, %dma_start3A_6] : memref<200x128xi32, #tpu.memory_space<vmem>> -> memref<1x128xi32, #tpu.memory_space<vmem>>
    %dma_start3A_8 = tpu.memref_squeeze %dma_start3A_7 : memref<1x128xi32, #tpu.memory_space<vmem>> -> memref<128xi32, #tpu.memory_space<vmem>>
    %dma_start3A_9 = arith.constant 0 : i32
    %dma_start3A_10 = arith.constant 0 : i32
    %dma_start3A_11 = tpu.memref_slice %arg3[%dma_start3A_9, %dma_start3A_10] : memref<100000x128xf32, #tpu.memory_space<hbm>> -> memref<100000x128xf32, #tpu.memory_space<hbm>>
    tpu.enqueue_indirect_dma source(%dma_start3A_11 : memref<100000x128xf32, #tpu.memory_space<hbm>>) target(%dma_start3A_5 : memref<128x128xf32, #tpu.memory_space<vmem>>) offsets(%dma_start3A_8 : memref<128xi32, #tpu.memory_space<vmem>>) semaphore(%arg7 : memref<!tpu.dma_semaphore, #tpu.memory_space<semaphore_mem>>)
    %dma_start3A_12 = arith.constant 1 : i32
    %dma_start3A_13 = arith.constant 1 : i32
    %dma_start3A_14 = arith.constant 0 : i32
    %dma_start3A_15 = arith.constant 0 : i32
    %dma_start3A_16 = tpu.memref_slice %arg6[%dma_start3A_13, %dma_start3A_14, %dma_start3A_15] : memref<4x128x128xf32, #tpu.memory_space<vmem>> -> memref<1x128x128xf32, #tpu.memory_space<vmem>>
    %dma_start3A_17 = tpu.memref_squeeze %dma_start3A_16 : memref<1x128x128xf32, #tpu.memory_space<vmem>> -> memref<128x128xf32, #tpu.memory_space<vmem>>
    %dma_start3A_18 = arith.constant 0 : i32
    %dma_start3A_19 = tpu.memref_slice %arg5[%dma_start3A_12, %dma_start3A_18] : memref<200x128xi32, #tpu.memory_space<vmem>> -> memref<1x128xi32, #tpu.memory_space<vmem>>
    %dma_start3A_20 = tpu.memref_squeeze %dma_start3A_19 : memref<1x128xi32, #tpu.memory_space<vmem>> -> memref<128xi32, #tpu.memory_space<vmem>>
    %dma_start3A_21 = arith.constant 0 : i32
    %dma_start3A_22 = arith.constant 0 : i32
    %dma_start3A_23 = tpu.memref_slice %arg3[%dma_start3A_21, %dma_start3A_22] : memref<100000x128xf32, #tpu.memory_space<hbm>> -> memref<100000x128xf32, #tpu.memory_space<hbm>>
    tpu.enqueue_indirect_dma source(%dma_start3A_23 : memref<100000x128xf32, #tpu.memory_space<hbm>>) target(%dma_start3A_17 : memref<128x128xf32, #tpu.memory_space<vmem>>) offsets(%dma_start3A_20 : memref<128xi32, #tpu.memory_space<vmem>>) semaphore(%arg8 : memref<!tpu.dma_semaphore, #tpu.memory_space<semaphore_mem>>)
    %dma_start3A_24 = arith.constant 2 : i32
    %dma_start3A_25 = arith.constant 2 : i32
    %dma_start3A_26 = arith.constant 0 : i32
    %dma_start3A_27 = arith.constant 0 : i32
    %dma_start3A_28 = tpu.memref_slice %arg6[%dma_start3A_25, %dma_start3A_26, %dma_start3A_27] : memref<4x128x128xf32, #tpu.memory_space<vmem>> -> memref<1x128x128xf32, #tpu.memory_space<vmem>>
    %dma_start3A_29 = tpu.memref_squeeze %dma_start3A_28 : memref<1x128x128xf32, #tpu.memory_space<vmem>> -> memref<128x128xf32, #tpu.memory_space<vmem>>
    %dma_start3A_30 = arith.constant 0 : i32
    %dma_start3A_31 = tpu.memref_slice %arg5[%dma_start3A_24, %dma_start3A_30] : memref<200x128xi32, #tpu.memory_space<vmem>> -> memref<1x128xi32, #tpu.memory_space<vmem>>
    %dma_start3A_32 = tpu.memref_squeeze %dma_start3A_31 : memref<1x128xi32, #tpu.memory_space<vmem>> -> memref<128xi32, #tpu.memory_space<vmem>>
    %dma_start3A_33 = arith.constant 0 : i32
    %dma_start3A_34 = arith.constant 0 : i32
    %dma_start3A_35 = tpu.memref_slice %arg3[%dma_start3A_33, %dma_start3A_34] : memref<100000x128xf32, #tpu.memory_space<hbm>> -> memref<100000x128xf32, #tpu.memory_space<hbm>>
    tpu.enqueue_indirect_dma source(%dma_start3A_35 : memref<100000x128xf32, #tpu.memory_space<hbm>>) target(%dma_start3A_29 : memref<128x128xf32, #tpu.memory_space<vmem>>) offsets(%dma_start3A_32 : memref<128xi32, #tpu.memory_space<vmem>>) semaphore(%arg9 : memref<!tpu.dma_semaphore, #tpu.memory_space<semaphore_mem>>)
    %dma_start3A_36 = arith.constant 3 : i32
    %dma_start3A_37 = arith.constant 3 : i32
    %dma_start3A_38 = arith.constant 0 : i32
    %dma_start3A_39 = arith.constant 0 : i32
    %dma_start3A_40 = tpu.memref_slice %arg6[%dma_start3A_37, %dma_start3A_38, %dma_start3A_39] : memref<4x128x128xf32, #tpu.memory_space<vmem>> -> memref<1x128x128xf32, #tpu.memory_space<vmem>>
    %dma_start3A_41 = tpu.memref_squeeze %dma_start3A_40 : memref<1x128x128xf32, #tpu.memory_space<vmem>> -> memref<128x128xf32, #tpu.memory_space<vmem>>
    %dma_start3A_42 = arith.constant 0 : i32
    %dma_start3A_43 = tpu.memref_slice %arg5[%dma_start3A_36, %dma_start3A_42] : memref<200x128xi32, #tpu.memory_space<vmem>> -> memref<1x128xi32, #tpu.memory_space<vmem>>
    %dma_start3A_44 = tpu.memref_squeeze %dma_start3A_43 : memref<1x128xi32, #tpu.memory_space<vmem>> -> memref<128xi32, #tpu.memory_space<vmem>>
    %dma_start3A_45 = arith.constant 0 : i32
    %dma_start3A_46 = arith.constant 0 : i32
    %dma_start3A_47 = tpu.memref_slice %arg3[%dma_start3A_45, %dma_start3A_46] : memref<100000x128xf32, #tpu.memory_space<hbm>> -> memref<100000x128xf32, #tpu.memory_space<hbm>>
    tpu.enqueue_indirect_dma source(%dma_start3A_47 : memref<100000x128xf32, #tpu.memory_space<hbm>>) target(%dma_start3A_41 : memref<128x128xf32, #tpu.memory_space<vmem>>) offsets(%dma_start3A_44 : memref<128xi32, #tpu.memory_space<vmem>>) semaphore(%arg10 : memref<!tpu.dma_semaphore, #tpu.memory_space<semaphore_mem>>)
    %scan3A = arith.constant 0 : i32
    %scan3A_48 = arith.constant 0 : i32
    %scan3A_49 = arith.constant 50 : i32
    %scan3A_50 = arith.addi %scan3A_48, %scan3A_49 : i32
    %scan3A_51 = arith.constant 1 : i32
    scf.for %scan3A_120 = %scan3A_48 to %scan3A_50 step %scan3A_51  : i32 {
      %mul3A_121 = arith.constant 4 : i32
      %mul3A_122 = arith.muli %scan3A_120, %mul3A_121 : i32
      %add3A_123 = arith.constant 0 : i32
      %add3A_124 = arith.addi %mul3A_122, %add3A_123 : i32
      %dma_wait3A_125 = arith.constant 0 : i32
      %dma_wait3A_126 = arith.constant 0 : i32
      %dma_wait3A_127 = arith.constant 0 : i32
      %dma_wait3A_128 = tpu.memref_slice %arg6[%dma_wait3A_125, %dma_wait3A_126, %dma_wait3A_127] : memref<4x128x128xf32, #tpu.memory_space<vmem>> -> memref<1x128x128xf32, #tpu.memory_space<vmem>>
      %dma_wait3A_129 = tpu.memref_squeeze %dma_wait3A_128 : memref<1x128x128xf32, #tpu.memory_space<vmem>> -> memref<128x128xf32, #tpu.memory_space<vmem>>
      %dma_wait3A_130 = arith.constant 0 : i32
      %dma_wait3A_131 = tpu.memref_slice %arg5[%add3A_124, %dma_wait3A_130] : memref<200x128xi32, #tpu.memory_space<vmem>> -> memref<1x128xi32, #tpu.memory_space<vmem>>
      %dma_wait3A_132 = tpu.memref_squeeze %dma_wait3A_131 : memref<1x128xi32, #tpu.memory_space<vmem>> -> memref<128xi32, #tpu.memory_space<vmem>>
      %dma_wait3A_133 = arith.constant 0 : i32
      %dma_wait3A_134 = arith.constant 0 : i32
      %dma_wait3A_135 = tpu.memref_slice %arg3[%dma_wait3A_133, %dma_wait3A_134] : memref<100000x128xf32, #tpu.memory_space<hbm>> -> memref<100000x128xf32, #tpu.memory_space<hbm>>
      tpu.wait_indirect_dma semaphore(%arg7 : memref<!tpu.dma_semaphore, #tpu.memory_space<semaphore_mem>>) src(%dma_wait3A_135 : memref<100000x128xf32, #tpu.memory_space<hbm>>) dst(%dma_wait3A_129 : memref<128x128xf32, #tpu.memory_space<vmem>>)
      %add3A_136 = arith.constant 0 : i32
      %add3A_137 = arith.addi %mul3A_122, %add3A_136 : i32
      %mul3A_138 = arith.constant 128 : i32
      %mul3A_139 = arith.muli %add3A_137, %mul3A_138 : i32
      %dma_start3A_140 = arith.constant 0 : i32
      %dma_start3A_141 = arith.constant 0 : i32
      %dma_start3A_142 = arith.constant 0 : i32
      %dma_start3A_143 = tpu.memref_slice %arg6[%dma_start3A_140, %dma_start3A_141, %dma_start3A_142] : memref<4x128x128xf32, #tpu.memory_space<vmem>> -> memref<1x128x128xf32, #tpu.memory_space<vmem>>
      %dma_start3A_144 = tpu.memref_squeeze %dma_start3A_143 : memref<1x128x128xf32, #tpu.memory_space<vmem>> -> memref<128x128xf32, #tpu.memory_space<vmem>>
      %dma_start3A_145 = arith.constant 0 : i32
      %dma_start3A_146 = tpu.memref_slice %arg4[%add3A, %mul3A_139, %dma_start3A_145] : memref<32x25600x128xf32, #tpu.memory_space<hbm>> -> memref<1x128x128xf32, #tpu.memory_space<hbm>>
      %dma_start3A_147 = tpu.memref_squeeze %dma_start3A_146 : memref<1x128x128xf32, #tpu.memory_space<hbm>> -> memref<128x128xf32, #tpu.memory_space<hbm>>
      %dma_start3A_148 = arith.constant 0 : i32
      %dma_start3A_149 = tpu.memref_slice %arg4[%add3A, %mul3A_139, %dma_start3A_148] : memref<32x25600x128xf32, #tpu.memory_space<hbm>> -> memref<1x128x128xf32, #tpu.memory_space<hbm>>
      %dma_start3A_150 = tpu.memref_squeeze %dma_start3A_149 : memref<1x128x128xf32, #tpu.memory_space<hbm>> -> memref<128x128xf32, #tpu.memory_space<hbm>>
      %dma_start3A_151 = arith.constant 0 : i32
      %dma_start3A_152 = arith.constant 0 : i32
      %dma_start3A_153 = tpu.memref_slice %arg6[%dma_start3A_140, %dma_start3A_151, %dma_start3A_152] : memref<4x128x128xf32, #tpu.memory_space<vmem>> -> memref<1x128x128xf32, #tpu.memory_space<vmem>>
      %dma_start3A_154 = tpu.memref_squeeze %dma_start3A_153 : memref<1x128x128xf32, #tpu.memory_space<vmem>> -> memref<128x128xf32, #tpu.memory_space<vmem>>
      tpu.enqueue_dma source(%dma_start3A_154 : memref<128x128xf32, #tpu.memory_space<vmem>>) target(%dma_start3A_150 : memref<128x128xf32, #tpu.memory_space<hbm>>) target_semaphore(%arg11 : memref<!tpu.dma_semaphore, #tpu.memory_space<semaphore_mem>>)
      %add3A_155 = arith.constant 1 : i32
      %add3A_156 = arith.addi %mul3A_122, %add3A_155 : i32
      %dma_wait3A_157 = arith.constant 1 : i32
      %dma_wait3A_158 = arith.constant 0 : i32
      %dma_wait3A_159 = arith.constant 0 : i32
      %dma_wait3A_160 = tpu.memref_slice %arg6[%dma_wait3A_157, %dma_wait3A_158, %dma_wait3A_159] : memref<4x128x128xf32, #tpu.memory_space<vmem>> -> memref<1x128x128xf32, #tpu.memory_space<vmem>>
      %dma_wait3A_161 = tpu.memref_squeeze %dma_wait3A_160 : memref<1x128x128xf32, #tpu.memory_space<vmem>> -> memref<128x128xf32, #tpu.memory_space<vmem>>
      %dma_wait3A_162 = arith.constant 0 : i32
      %dma_wait3A_163 = tpu.memref_slice %arg5[%add3A_156, %dma_wait3A_162] : memref<200x128xi32, #tpu.memory_space<vmem>> -> memref<1x128xi32, #tpu.memory_space<vmem>>
      %dma_wait3A_164 = tpu.memref_squeeze %dma_wait3A_163 : memref<1x128xi32, #tpu.memory_space<vmem>> -> memref<128xi32, #tpu.memory_space<vmem>>
      %dma_wait3A_165 = arith.constant 0 : i32
      %dma_wait3A_166 = arith.constant 0 : i32
      %dma_wait3A_167 = tpu.memref_slice %arg3[%dma_wait3A_165, %dma_wait3A_166] : memref<100000x128xf32, #tpu.memory_space<hbm>> -> memref<100000x128xf32, #tpu.memory_space<hbm>>
      tpu.wait_indirect_dma semaphore(%arg8 : memref<!tpu.dma_semaphore, #tpu.memory_space<semaphore_mem>>) src(%dma_wait3A_167 : memref<100000x128xf32, #tpu.memory_space<hbm>>) dst(%dma_wait3A_161 : memref<128x128xf32, #tpu.memory_space<vmem>>)
      %add3A_168 = arith.constant 1 : i32
      %add3A_169 = arith.addi %mul3A_122, %add3A_168 : i32
      %mul3A_170 = arith.constant 128 : i32
      %mul3A_171 = arith.muli %add3A_169, %mul3A_170 : i32
      %dma_start3A_172 = arith.constant 1 : i32
      %dma_start3A_173 = arith.constant 0 : i32
      %dma_start3A_174 = arith.constant 0 : i32
      %dma_start3A_175 = tpu.memref_slice %arg6[%dma_start3A_172, %dma_start3A_173, %dma_start3A_174] : memref<4x128x128xf32, #tpu.memory_space<vmem>> -> memref<1x128x128xf32, #tpu.memory_space<vmem>>
      %dma_start3A_176 = tpu.memref_squeeze %dma_start3A_175 : memref<1x128x128xf32, #tpu.memory_space<vmem>> -> memref<128x128xf32, #tpu.memory_space<vmem>>
      %dma_start3A_177 = arith.constant 0 : i32
      %dma_start3A_178 = tpu.memref_slice %arg4[%add3A, %mul3A_171, %dma_start3A_177] : memref<32x25600x128xf32, #tpu.memory_space<hbm>> -> memref<1x128x128xf32, #tpu.memory_space<hbm>>
      %dma_start3A_179 = tpu.memref_squeeze %dma_start3A_178 : memref<1x128x128xf32, #tpu.memory_space<hbm>> -> memref<128x128xf32, #tpu.memory_space<hbm>>
      %dma_start3A_180 = arith.constant 0 : i32
      %dma_start3A_181 = tpu.memref_slice %arg4[%add3A, %mul3A_171, %dma_start3A_180] : memref<32x25600x128xf32, #tpu.memory_space<hbm>> -> memref<1x128x128xf32, #tpu.memory_space<hbm>>
      %dma_start3A_182 = tpu.memref_squeeze %dma_start3A_181 : memref<1x128x128xf32, #tpu.memory_space<hbm>> -> memref<128x128xf32, #tpu.memory_space<hbm>>
      %dma_start3A_183 = arith.constant 0 : i32
      %dma_start3A_184 = arith.constant 0 : i32
      %dma_start3A_185 = tpu.memref_slice %arg6[%dma_start3A_172, %dma_start3A_183, %dma_start3A_184] : memref<4x128x128xf32, #tpu.memory_space<vmem>> -> memref<1x128x128xf32, #tpu.memory_space<vmem>>
      %dma_start3A_186 = tpu.memref_squeeze %dma_start3A_185 : memref<1x128x128xf32, #tpu.memory_space<vmem>> -> memref<128x128xf32, #tpu.memory_space<vmem>>
      tpu.enqueue_dma source(%dma_start3A_186 : memref<128x128xf32, #tpu.memory_space<vmem>>) target(%dma_start3A_182 : memref<128x128xf32, #tpu.memory_space<hbm>>) target_semaphore(%arg12 : memref<!tpu.dma_semaphore, #tpu.memory_space<semaphore_mem>>)
      %add3A_187 = arith.constant 2 : i32
      %add3A_188 = arith.addi %mul3A_122, %add3A_187 : i32
      %dma_wait3A_189 = arith.constant 2 : i32
      %dma_wait3A_190 = arith.constant 0 : i32
      %dma_wait3A_191 = arith.constant 0 : i32
      %dma_wait3A_192 = tpu.memref_slice %arg6[%dma_wait3A_189, %dma_wait3A_190, %dma_wait3A_191] : memref<4x128x128xf32, #tpu.memory_space<vmem>> -> memref<1x128x128xf32, #tpu.memory_space<vmem>>
      %dma_wait3A_193 = tpu.memref_squeeze %dma_wait3A_192 : memref<1x128x128xf32, #tpu.memory_space<vmem>> -> memref<128x128xf32, #tpu.memory_space<vmem>>
      %dma_wait3A_194 = arith.constant 0 : i32
      %dma_wait3A_195 = tpu.memref_slice %arg5[%add3A_188, %dma_wait3A_194] : memref<200x128xi32, #tpu.memory_space<vmem>> -> memref<1x128xi32, #tpu.memory_space<vmem>>
      %dma_wait3A_196 = tpu.memref_squeeze %dma_wait3A_195 : memref<1x128xi32, #tpu.memory_space<vmem>> -> memref<128xi32, #tpu.memory_space<vmem>>
      %dma_wait3A_197 = arith.constant 0 : i32
      %dma_wait3A_198 = arith.constant 0 : i32
      %dma_wait3A_199 = tpu.memref_slice %arg3[%dma_wait3A_197, %dma_wait3A_198] : memref<100000x128xf32, #tpu.memory_space<hbm>> -> memref<100000x128xf32, #tpu.memory_space<hbm>>
      tpu.wait_indirect_dma semaphore(%arg9 : memref<!tpu.dma_semaphore, #tpu.memory_space<semaphore_mem>>) src(%dma_wait3A_199 : memref<100000x128xf32, #tpu.memory_space<hbm>>) dst(%dma_wait3A_193 : memref<128x128xf32, #tpu.memory_space<vmem>>)
      %add3A_200 = arith.constant 2 : i32
      %add3A_201 = arith.addi %mul3A_122, %add3A_200 : i32
      %mul3A_202 = arith.constant 128 : i32
      %mul3A_203 = arith.muli %add3A_201, %mul3A_202 : i32
      %dma_start3A_204 = arith.constant 2 : i32
      %dma_start3A_205 = arith.constant 0 : i32
      %dma_start3A_206 = arith.constant 0 : i32
      %dma_start3A_207 = tpu.memref_slice %arg6[%dma_start3A_204, %dma_start3A_205, %dma_start3A_206] : memref<4x128x128xf32, #tpu.memory_space<vmem>> -> memref<1x128x128xf32, #tpu.memory_space<vmem>>
      %dma_start3A_208 = tpu.memref_squeeze %dma_start3A_207 : memref<1x128x128xf32, #tpu.memory_space<vmem>> -> memref<128x128xf32, #tpu.memory_space<vmem>>
      %dma_start3A_209 = arith.constant 0 : i32
      %dma_start3A_210 = tpu.memref_slice %arg4[%add3A, %mul3A_203, %dma_start3A_209] : memref<32x25600x128xf32, #tpu.memory_space<hbm>> -> memref<1x128x128xf32, #tpu.memory_space<hbm>>
      %dma_start3A_211 = tpu.memref_squeeze %dma_start3A_210 : memref<1x128x128xf32, #tpu.memory_space<hbm>> -> memref<128x128xf32, #tpu.memory_space<hbm>>
      %dma_start3A_212 = arith.constant 0 : i32
      %dma_start3A_213 = tpu.memref_slice %arg4[%add3A, %mul3A_203, %dma_start3A_212] : memref<32x25600x128xf32, #tpu.memory_space<hbm>> -> memref<1x128x128xf32, #tpu.memory_space<hbm>>
      %dma_start3A_214 = tpu.memref_squeeze %dma_start3A_213 : memref<1x128x128xf32, #tpu.memory_space<hbm>> -> memref<128x128xf32, #tpu.memory_space<hbm>>
      %dma_start3A_215 = arith.constant 0 : i32
      %dma_start3A_216 = arith.constant 0 : i32
      %dma_start3A_217 = tpu.memref_slice %arg6[%dma_start3A_204, %dma_start3A_215, %dma_start3A_216] : memref<4x128x128xf32, #tpu.memory_space<vmem>> -> memref<1x128x128xf32, #tpu.memory_space<vmem>>
      %dma_start3A_218 = tpu.memref_squeeze %dma_start3A_217 : memref<1x128x128xf32, #tpu.memory_space<vmem>> -> memref<128x128xf32, #tpu.memory_space<vmem>>
      tpu.enqueue_dma source(%dma_start3A_218 : memref<128x128xf32, #tpu.memory_space<vmem>>) target(%dma_start3A_214 : memref<128x128xf32, #tpu.memory_space<hbm>>) target_semaphore(%arg13 : memref<!tpu.dma_semaphore, #tpu.memory_space<semaphore_mem>>)
      %add3A_219 = arith.constant 3 : i32
      %add3A_220 = arith.addi %mul3A_122, %add3A_219 : i32
      %dma_wait3A_221 = arith.constant 3 : i32
      %dma_wait3A_222 = arith.constant 0 : i32
      %dma_wait3A_223 = arith.constant 0 : i32
      %dma_wait3A_224 = tpu.memref_slice %arg6[%dma_wait3A_221, %dma_wait3A_222, %dma_wait3A_223] : memref<4x128x128xf32, #tpu.memory_space<vmem>> -> memref<1x128x128xf32, #tpu.memory_space<vmem>>
      %dma_wait3A_225 = tpu.memref_squeeze %dma_wait3A_224 : memref<1x128x128xf32, #tpu.memory_space<vmem>> -> memref<128x128xf32, #tpu.memory_space<vmem>>
      %dma_wait3A_226 = arith.constant 0 : i32
      %dma_wait3A_227 = tpu.memref_slice %arg5[%add3A_220, %dma_wait3A_226] : memref<200x128xi32, #tpu.memory_space<vmem>> -> memref<1x128xi32, #tpu.memory_space<vmem>>
      %dma_wait3A_228 = tpu.memref_squeeze %dma_wait3A_227 : memref<1x128xi32, #tpu.memory_space<vmem>> -> memref<128xi32, #tpu.memory_space<vmem>>
      %dma_wait3A_229 = arith.constant 0 : i32
      %dma_wait3A_230 = arith.constant 0 : i32
      %dma_wait3A_231 = tpu.memref_slice %arg3[%dma_wait3A_229, %dma_wait3A_230] : memref<100000x128xf32, #tpu.memory_space<hbm>> -> memref<100000x128xf32, #tpu.memory_space<hbm>>
      tpu.wait_indirect_dma semaphore(%arg10 : memref<!tpu.dma_semaphore, #tpu.memory_space<semaphore_mem>>) src(%dma_wait3A_231 : memref<100000x128xf32, #tpu.memory_space<hbm>>) dst(%dma_wait3A_225 : memref<128x128xf32, #tpu.memory_space<vmem>>)
      %add3A_232 = arith.constant 3 : i32
      %add3A_233 = arith.addi %mul3A_122, %add3A_232 : i32
      %mul3A_234 = arith.constant 128 : i32
      %mul3A_235 = arith.muli %add3A_233, %mul3A_234 : i32
      %dma_start3A_236 = arith.constant 3 : i32
      %dma_start3A_237 = arith.constant 0 : i32
      %dma_start3A_238 = arith.constant 0 : i32
      %dma_start3A_239 = tpu.memref_slice %arg6[%dma_start3A_236, %dma_start3A_237, %dma_start3A_238] : memref<4x128x128xf32, #tpu.memory_space<vmem>> -> memref<1x128x128xf32, #tpu.memory_space<vmem>>
      %dma_start3A_240 = tpu.memref_squeeze %dma_start3A_239 : memref<1x128x128xf32, #tpu.memory_space<vmem>> -> memref<128x128xf32, #tpu.memory_space<vmem>>
      %dma_start3A_241 = arith.constant 0 : i32
      %dma_start3A_242 = tpu.memref_slice %arg4[%add3A, %mul3A_235, %dma_start3A_241] : memref<32x25600x128xf32, #tpu.memory_space<hbm>> -> memref<1x128x128xf32, #tpu.memory_space<hbm>>
      %dma_start3A_243 = tpu.memref_squeeze %dma_start3A_242 : memref<1x128x128xf32, #tpu.memory_space<hbm>> -> memref<128x128xf32, #tpu.memory_space<hbm>>
      %dma_start3A_244 = arith.constant 0 : i32
      %dma_start3A_245 = tpu.memref_slice %arg4[%add3A, %mul3A_235, %dma_start3A_244] : memref<32x25600x128xf32, #tpu.memory_space<hbm>> -> memref<1x128x128xf32, #tpu.memory_space<hbm>>
      %dma_start3A_246 = tpu.memref_squeeze %dma_start3A_245 : memref<1x128x128xf32, #tpu.memory_space<hbm>> -> memref<128x128xf32, #tpu.memory_space<hbm>>
      %dma_start3A_247 = arith.constant 0 : i32
      %dma_start3A_248 = arith.constant 0 : i32
      %dma_start3A_249 = tpu.memref_slice %arg6[%dma_start3A_236, %dma_start3A_247, %dma_start3A_248] : memref<4x128x128xf32, #tpu.memory_space<vmem>> -> memref<1x128x128xf32, #tpu.memory_space<vmem>>
      %dma_start3A_250 = tpu.memref_squeeze %dma_start3A_249 : memref<1x128x128xf32, #tpu.memory_space<vmem>> -> memref<128x128xf32, #tpu.memory_space<vmem>>
      tpu.enqueue_dma source(%dma_start3A_250 : memref<128x128xf32, #tpu.memory_space<vmem>>) target(%dma_start3A_246 : memref<128x128xf32, #tpu.memory_space<hbm>>) target_semaphore(%arg14 : memref<!tpu.dma_semaphore, #tpu.memory_space<semaphore_mem>>)
      %add3A_251 = arith.constant 1 : i32
      %add3A_252 = arith.addi %scan3A_120, %add3A_251 : i32
      %lt3A = arith.constant 50 : i32
      %lt3A_253 = arith.cmpi slt, %add3A_252, %lt3A : i32
      %convert_element_type3A = arith.extui %lt3A_253 : i1 to i32
      %cond3A = arith.constant 0 : i32
      %cond3A_254 = arith.cmpi ne, %convert_element_type3A, %cond3A : i32
      scf.if %cond3A_254 {
        %add3A_255 = arith.constant 0 : i32
        %add3A_256 = arith.addi %mul3A_122, %add3A_255 : i32
        %mul3A_257 = arith.constant 128 : i32
        %mul3A_258 = arith.muli %add3A_256, %mul3A_257 : i32
        %dma_wait3A_259 = arith.constant 0 : i32
        %dma_wait3A_260 = arith.constant 0 : i32
        %dma_wait3A_261 = arith.constant 0 : i32
        %dma_wait3A_262 = tpu.memref_slice %arg6[%dma_wait3A_259, %dma_wait3A_260, %dma_wait3A_261] : memref<4x128x128xf32, #tpu.memory_space<vmem>> -> memref<1x128x128xf32, #tpu.memory_space<vmem>>
        %dma_wait3A_263 = tpu.memref_squeeze %dma_wait3A_262 : memref<1x128x128xf32, #tpu.memory_space<vmem>> -> memref<128x128xf32, #tpu.memory_space<vmem>>
        %dma_wait3A_264 = arith.constant 0 : i32
        %dma_wait3A_265 = tpu.memref_slice %arg4[%add3A, %mul3A_258, %dma_wait3A_264] : memref<32x25600x128xf32, #tpu.memory_space<hbm>> -> memref<1x128x128xf32, #tpu.memory_space<hbm>>
        %dma_wait3A_266 = tpu.memref_squeeze %dma_wait3A_265 : memref<1x128x128xf32, #tpu.memory_space<hbm>> -> memref<128x128xf32, #tpu.memory_space<hbm>>
        %dma_wait3A_267 = arith.constant 0 : i32
        %dma_wait3A_268 = tpu.memref_slice %arg4[%add3A, %mul3A_258, %dma_wait3A_267] : memref<32x25600x128xf32, #tpu.memory_space<hbm>> -> memref<1x128x128xf32, #tpu.memory_space<hbm>>
        %dma_wait3A_269 = tpu.memref_squeeze %dma_wait3A_268 : memref<1x128x128xf32, #tpu.memory_space<hbm>> -> memref<128x128xf32, #tpu.memory_space<hbm>>
        %dma_wait3A_270 = arith.constant 0 : i32
        %dma_wait3A_271 = arith.constant 0 : i32
        %dma_wait3A_272 = tpu.memref_slice %arg6[%dma_wait3A_259, %dma_wait3A_270, %dma_wait3A_271] : memref<4x128x128xf32, #tpu.memory_space<vmem>> -> memref<1x128x128xf32, #tpu.memory_space<vmem>>
        %dma_wait3A_273 = tpu.memref_squeeze %dma_wait3A_272 : memref<1x128x128xf32, #tpu.memory_space<vmem>> -> memref<128x128xf32, #tpu.memory_space<vmem>>
        tpu.wait_dma2 semaphore(%arg11 : memref<!tpu.dma_semaphore, #tpu.memory_space<semaphore_mem>>) src(%dma_wait3A_273 : memref<128x128xf32, #tpu.memory_space<vmem>>) dst(%dma_wait3A_269 : memref<128x128xf32, #tpu.memory_space<hbm>>)
        %add3A_274 = arith.constant 4 : i32
        %add3A_275 = arith.addi %mul3A_122, %add3A_274 : i32
        %add3A_276 = arith.constant 0 : i32
        %add3A_277 = arith.addi %add3A_275, %add3A_276 : i32
        %dma_start3A_278 = arith.constant 0 : i32
        %dma_start3A_279 = arith.constant 0 : i32
        %dma_start3A_280 = arith.constant 0 : i32
        %dma_start3A_281 = tpu.memref_slice %arg6[%dma_start3A_278, %dma_start3A_279, %dma_start3A_280] : memref<4x128x128xf32, #tpu.memory_space<vmem>> -> memref<1x128x128xf32, #tpu.memory_space<vmem>>
        %dma_start3A_282 = tpu.memref_squeeze %dma_start3A_281 : memref<1x128x128xf32, #tpu.memory_space<vmem>> -> memref<128x128xf32, #tpu.memory_space<vmem>>
        %dma_start3A_283 = arith.constant 0 : i32
        %dma_start3A_284 = tpu.memref_slice %arg5[%add3A_277, %dma_start3A_283] : memref<200x128xi32, #tpu.memory_space<vmem>> -> memref<1x128xi32, #tpu.memory_space<vmem>>
        %dma_start3A_285 = tpu.memref_squeeze %dma_start3A_284 : memref<1x128xi32, #tpu.memory_space<vmem>> -> memref<128xi32, #tpu.memory_space<vmem>>
        %dma_start3A_286 = arith.constant 0 : i32
        %dma_start3A_287 = arith.constant 0 : i32
        %dma_start3A_288 = tpu.memref_slice %arg3[%dma_start3A_286, %dma_start3A_287] : memref<100000x128xf32, #tpu.memory_space<hbm>> -> memref<100000x128xf32, #tpu.memory_space<hbm>>
        tpu.enqueue_indirect_dma source(%dma_start3A_288 : memref<100000x128xf32, #tpu.memory_space<hbm>>) target(%dma_start3A_282 : memref<128x128xf32, #tpu.memory_space<vmem>>) offsets(%dma_start3A_285 : memref<128xi32, #tpu.memory_space<vmem>>) semaphore(%arg7 : memref<!tpu.dma_semaphore, #tpu.memory_space<semaphore_mem>>)
        %add3A_289 = arith.constant 1 : i32
        %add3A_290 = arith.addi %mul3A_122, %add3A_289 : i32
        %mul3A_291 = arith.constant 128 : i32
        %mul3A_292 = arith.muli %add3A_290, %mul3A_291 : i32
        %dma_wait3A_293 = arith.constant 1 : i32
        %dma_wait3A_294 = arith.constant 0 : i32
        %dma_wait3A_295 = arith.constant 0 : i32
        %dma_wait3A_296 = tpu.memref_slice %arg6[%dma_wait3A_293, %dma_wait3A_294, %dma_wait3A_295] : memref<4x128x128xf32, #tpu.memory_space<vmem>> -> memref<1x128x128xf32, #tpu.memory_space<vmem>>
        %dma_wait3A_297 = tpu.memref_squeeze %dma_wait3A_296 : memref<1x128x128xf32, #tpu.memory_space<vmem>> -> memref<128x128xf32, #tpu.memory_space<vmem>>
        %dma_wait3A_298 = arith.constant 0 : i32
        %dma_wait3A_299 = tpu.memref_slice %arg4[%add3A, %mul3A_292, %dma_wait3A_298] : memref<32x25600x128xf32, #tpu.memory_space<hbm>> -> memref<1x128x128xf32, #tpu.memory_space<hbm>>
        %dma_wait3A_300 = tpu.memref_squeeze %dma_wait3A_299 : memref<1x128x128xf32, #tpu.memory_space<hbm>> -> memref<128x128xf32, #tpu.memory_space<hbm>>
        %dma_wait3A_301 = arith.constant 0 : i32
        %dma_wait3A_302 = tpu.memref_slice %arg4[%add3A, %mul3A_292, %dma_wait3A_301] : memref<32x25600x128xf32, #tpu.memory_space<hbm>> -> memref<1x128x128xf32, #tpu.memory_space<hbm>>
        %dma_wait3A_303 = tpu.memref_squeeze %dma_wait3A_302 : memref<1x128x128xf32, #tpu.memory_space<hbm>> -> memref<128x128xf32, #tpu.memory_space<hbm>>
        %dma_wait3A_304 = arith.constant 0 : i32
        %dma_wait3A_305 = arith.constant 0 : i32
        %dma_wait3A_306 = tpu.memref_slice %arg6[%dma_wait3A_293, %dma_wait3A_304, %dma_wait3A_305] : memref<4x128x128xf32, #tpu.memory_space<vmem>> -> memref<1x128x128xf32, #tpu.memory_space<vmem>>
        %dma_wait3A_307 = tpu.memref_squeeze %dma_wait3A_306 : memref<1x128x128xf32, #tpu.memory_space<vmem>> -> memref<128x128xf32, #tpu.memory_space<vmem>>
        tpu.wait_dma2 semaphore(%arg12 : memref<!tpu.dma_semaphore, #tpu.memory_space<semaphore_mem>>) src(%dma_wait3A_307 : memref<128x128xf32, #tpu.memory_space<vmem>>) dst(%dma_wait3A_303 : memref<128x128xf32, #tpu.memory_space<hbm>>)
        %add3A_308 = arith.constant 4 : i32
        %add3A_309 = arith.addi %mul3A_122, %add3A_308 : i32
        %add3A_310 = arith.constant 1 : i32
        %add3A_311 = arith.addi %add3A_309, %add3A_310 : i32
        %dma_start3A_312 = arith.constant 1 : i32
        %dma_start3A_313 = arith.constant 0 : i32
        %dma_start3A_314 = arith.constant 0 : i32
        %dma_start3A_315 = tpu.memref_slice %arg6[%dma_start3A_312, %dma_start3A_313, %dma_start3A_314] : memref<4x128x128xf32, #tpu.memory_space<vmem>> -> memref<1x128x128xf32, #tpu.memory_space<vmem>>
        %dma_start3A_316 = tpu.memref_squeeze %dma_start3A_315 : memref<1x128x128xf32, #tpu.memory_space<vmem>> -> memref<128x128xf32, #tpu.memory_space<vmem>>
        %dma_start3A_317 = arith.constant 0 : i32
        %dma_start3A_318 = tpu.memref_slice %arg5[%add3A_311, %dma_start3A_317] : memref<200x128xi32, #tpu.memory_space<vmem>> -> memref<1x128xi32, #tpu.memory_space<vmem>>
        %dma_start3A_319 = tpu.memref_squeeze %dma_start3A_318 : memref<1x128xi32, #tpu.memory_space<vmem>> -> memref<128xi32, #tpu.memory_space<vmem>>
        %dma_start3A_320 = arith.constant 0 : i32
        %dma_start3A_321 = arith.constant 0 : i32
        %dma_start3A_322 = tpu.memref_slice %arg3[%dma_start3A_320, %dma_start3A_321] : memref<100000x128xf32, #tpu.memory_space<hbm>> -> memref<100000x128xf32, #tpu.memory_space<hbm>>
        tpu.enqueue_indirect_dma source(%dma_start3A_322 : memref<100000x128xf32, #tpu.memory_space<hbm>>) target(%dma_start3A_316 : memref<128x128xf32, #tpu.memory_space<vmem>>) offsets(%dma_start3A_319 : memref<128xi32, #tpu.memory_space<vmem>>) semaphore(%arg8 : memref<!tpu.dma_semaphore, #tpu.memory_space<semaphore_mem>>)
        %add3A_323 = arith.constant 2 : i32
        %add3A_324 = arith.addi %mul3A_122, %add3A_323 : i32
        %mul3A_325 = arith.constant 128 : i32
        %mul3A_326 = arith.muli %add3A_324, %mul3A_325 : i32
        %dma_wait3A_327 = arith.constant 2 : i32
        %dma_wait3A_328 = arith.constant 0 : i32
        %dma_wait3A_329 = arith.constant 0 : i32
        %dma_wait3A_330 = tpu.memref_slice %arg6[%dma_wait3A_327, %dma_wait3A_328, %dma_wait3A_329] : memref<4x128x128xf32, #tpu.memory_space<vmem>> -> memref<1x128x128xf32, #tpu.memory_space<vmem>>
        %dma_wait3A_331 = tpu.memref_squeeze %dma_wait3A_330 : memref<1x128x128xf32, #tpu.memory_space<vmem>> -> memref<128x128xf32, #tpu.memory_space<vmem>>
        %dma_wait3A_332 = arith.constant 0 : i32
        %dma_wait3A_333 = tpu.memref_slice %arg4[%add3A, %mul3A_326, %dma_wait3A_332] : memref<32x25600x128xf32, #tpu.memory_space<hbm>> -> memref<1x128x128xf32, #tpu.memory_space<hbm>>
        %dma_wait3A_334 = tpu.memref_squeeze %dma_wait3A_333 : memref<1x128x128xf32, #tpu.memory_space<hbm>> -> memref<128x128xf32, #tpu.memory_space<hbm>>
        %dma_wait3A_335 = arith.constant 0 : i32
        %dma_wait3A_336 = tpu.memref_slice %arg4[%add3A, %mul3A_326, %dma_wait3A_335] : memref<32x25600x128xf32, #tpu.memory_space<hbm>> -> memref<1x128x128xf32, #tpu.memory_space<hbm>>
        %dma_wait3A_337 = tpu.memref_squeeze %dma_wait3A_336 : memref<1x128x128xf32, #tpu.memory_space<hbm>> -> memref<128x128xf32, #tpu.memory_space<hbm>>
        %dma_wait3A_338 = arith.constant 0 : i32
        %dma_wait3A_339 = arith.constant 0 : i32
        %dma_wait3A_340 = tpu.memref_slice %arg6[%dma_wait3A_327, %dma_wait3A_338, %dma_wait3A_339] : memref<4x128x128xf32, #tpu.memory_space<vmem>> -> memref<1x128x128xf32, #tpu.memory_space<vmem>>
        %dma_wait3A_341 = tpu.memref_squeeze %dma_wait3A_340 : memref<1x128x128xf32, #tpu.memory_space<vmem>> -> memref<128x128xf32, #tpu.memory_space<vmem>>
        tpu.wait_dma2 semaphore(%arg13 : memref<!tpu.dma_semaphore, #tpu.memory_space<semaphore_mem>>) src(%dma_wait3A_341 : memref<128x128xf32, #tpu.memory_space<vmem>>) dst(%dma_wait3A_337 : memref<128x128xf32, #tpu.memory_space<hbm>>)
        %add3A_342 = arith.constant 4 : i32
        %add3A_343 = arith.addi %mul3A_122, %add3A_342 : i32
        %add3A_344 = arith.constant 2 : i32
        %add3A_345 = arith.addi %add3A_343, %add3A_344 : i32
        %dma_start3A_346 = arith.constant 2 : i32
        %dma_start3A_347 = arith.constant 0 : i32
        %dma_start3A_348 = arith.constant 0 : i32
        %dma_start3A_349 = tpu.memref_slice %arg6[%dma_start3A_346, %dma_start3A_347, %dma_start3A_348] : memref<4x128x128xf32, #tpu.memory_space<vmem>> -> memref<1x128x128xf32, #tpu.memory_space<vmem>>
        %dma_start3A_350 = tpu.memref_squeeze %dma_start3A_349 : memref<1x128x128xf32, #tpu.memory_space<vmem>> -> memref<128x128xf32, #tpu.memory_space<vmem>>
        %dma_start3A_351 = arith.constant 0 : i32
        %dma_start3A_352 = tpu.memref_slice %arg5[%add3A_345, %dma_start3A_351] : memref<200x128xi32, #tpu.memory_space<vmem>> -> memref<1x128xi32, #tpu.memory_space<vmem>>
        %dma_start3A_353 = tpu.memref_squeeze %dma_start3A_352 : memref<1x128xi32, #tpu.memory_space<vmem>> -> memref<128xi32, #tpu.memory_space<vmem>>
        %dma_start3A_354 = arith.constant 0 : i32
        %dma_start3A_355 = arith.constant 0 : i32
        %dma_start3A_356 = tpu.memref_slice %arg3[%dma_start3A_354, %dma_start3A_355] : memref<100000x128xf32, #tpu.memory_space<hbm>> -> memref<100000x128xf32, #tpu.memory_space<hbm>>
        tpu.enqueue_indirect_dma source(%dma_start3A_356 : memref<100000x128xf32, #tpu.memory_space<hbm>>) target(%dma_start3A_350 : memref<128x128xf32, #tpu.memory_space<vmem>>) offsets(%dma_start3A_353 : memref<128xi32, #tpu.memory_space<vmem>>) semaphore(%arg9 : memref<!tpu.dma_semaphore, #tpu.memory_space<semaphore_mem>>)
        %add3A_357 = arith.constant 3 : i32
        %add3A_358 = arith.addi %mul3A_122, %add3A_357 : i32
        %mul3A_359 = arith.constant 128 : i32
        %mul3A_360 = arith.muli %add3A_358, %mul3A_359 : i32
        %dma_wait3A_361 = arith.constant 3 : i32
        %dma_wait3A_362 = arith.constant 0 : i32
        %dma_wait3A_363 = arith.constant 0 : i32
        %dma_wait3A_364 = tpu.memref_slice %arg6[%dma_wait3A_361, %dma_wait3A_362, %dma_wait3A_363] : memref<4x128x128xf32, #tpu.memory_space<vmem>> -> memref<1x128x128xf32, #tpu.memory_space<vmem>>
        %dma_wait3A_365 = tpu.memref_squeeze %dma_wait3A_364 : memref<1x128x128xf32, #tpu.memory_space<vmem>> -> memref<128x128xf32, #tpu.memory_space<vmem>>
        %dma_wait3A_366 = arith.constant 0 : i32
        %dma_wait3A_367 = tpu.memref_slice %arg4[%add3A, %mul3A_360, %dma_wait3A_366] : memref<32x25600x128xf32, #tpu.memory_space<hbm>> -> memref<1x128x128xf32, #tpu.memory_space<hbm>>
        %dma_wait3A_368 = tpu.memref_squeeze %dma_wait3A_367 : memref<1x128x128xf32, #tpu.memory_space<hbm>> -> memref<128x128xf32, #tpu.memory_space<hbm>>
        %dma_wait3A_369 = arith.constant 0 : i32
        %dma_wait3A_370 = tpu.memref_slice %arg4[%add3A, %mul3A_360, %dma_wait3A_369] : memref<32x25600x128xf32, #tpu.memory_space<hbm>> -> memref<1x128x128xf32, #tpu.memory_space<hbm>>
        %dma_wait3A_371 = tpu.memref_squeeze %dma_wait3A_370 : memref<1x128x128xf32, #tpu.memory_space<hbm>> -> memref<128x128xf32, #tpu.memory_space<hbm>>
        %dma_wait3A_372 = arith.constant 0 : i32
        %dma_wait3A_373 = arith.constant 0 : i32
        %dma_wait3A_374 = tpu.memref_slice %arg6[%dma_wait3A_361, %dma_wait3A_372, %dma_wait3A_373] : memref<4x128x128xf32, #tpu.memory_space<vmem>> -> memref<1x128x128xf32, #tpu.memory_space<vmem>>
        %dma_wait3A_375 = tpu.memref_squeeze %dma_wait3A_374 : memref<1x128x128xf32, #tpu.memory_space<vmem>> -> memref<128x128xf32, #tpu.memory_space<vmem>>
        tpu.wait_dma2 semaphore(%arg14 : memref<!tpu.dma_semaphore, #tpu.memory_space<semaphore_mem>>) src(%dma_wait3A_375 : memref<128x128xf32, #tpu.memory_space<vmem>>) dst(%dma_wait3A_371 : memref<128x128xf32, #tpu.memory_space<hbm>>)
        %add3A_376 = arith.constant 4 : i32
        %add3A_377 = arith.addi %mul3A_122, %add3A_376 : i32
        %add3A_378 = arith.constant 3 : i32
        %add3A_379 = arith.addi %add3A_377, %add3A_378 : i32
        %dma_start3A_380 = arith.constant 3 : i32
        %dma_start3A_381 = arith.constant 0 : i32
        %dma_start3A_382 = arith.constant 0 : i32
        %dma_start3A_383 = tpu.memref_slice %arg6[%dma_start3A_380, %dma_start3A_381, %dma_start3A_382] : memref<4x128x128xf32, #tpu.memory_space<vmem>> -> memref<1x128x128xf32, #tpu.memory_space<vmem>>
        %dma_start3A_384 = tpu.memref_squeeze %dma_start3A_383 : memref<1x128x128xf32, #tpu.memory_space<vmem>> -> memref<128x128xf32, #tpu.memory_space<vmem>>
        %dma_start3A_385 = arith.constant 0 : i32
        %dma_start3A_386 = tpu.memref_slice %arg5[%add3A_379, %dma_start3A_385] : memref<200x128xi32, #tpu.memory_space<vmem>> -> memref<1x128xi32, #tpu.memory_space<vmem>>
        %dma_start3A_387 = tpu.memref_squeeze %dma_start3A_386 : memref<1x128xi32, #tpu.memory_space<vmem>> -> memref<128xi32, #tpu.memory_space<vmem>>
        %dma_start3A_388 = arith.constant 0 : i32
        %dma_start3A_389 = arith.constant 0 : i32
        %dma_start3A_390 = tpu.memref_slice %arg3[%dma_start3A_388, %dma_start3A_389] : memref<100000x128xf32, #tpu.memory_space<hbm>> -> memref<100000x128xf32, #tpu.memory_space<hbm>>
        tpu.enqueue_indirect_dma source(%dma_start3A_390 : memref<100000x128xf32, #tpu.memory_space<hbm>>) target(%dma_start3A_384 : memref<128x128xf32, #tpu.memory_space<vmem>>) offsets(%dma_start3A_387 : memref<128xi32, #tpu.memory_space<vmem>>) semaphore(%arg10 : memref<!tpu.dma_semaphore, #tpu.memory_space<semaphore_mem>>)
      } else {
      }
    }
    %scan3A_52 = arith.constant 50 : i32
    %dma_wait3A = arith.constant 0 : i32
    %dma_wait3A_53 = arith.constant 0 : i32
    %dma_wait3A_54 = arith.constant 0 : i32
    %dma_wait3A_55 = tpu.memref_slice %arg6[%dma_wait3A, %dma_wait3A_53, %dma_wait3A_54] : memref<4x128x128xf32, #tpu.memory_space<vmem>> -> memref<1x128x128xf32, #tpu.memory_space<vmem>>
    %dma_wait3A_56 = tpu.memref_squeeze %dma_wait3A_55 : memref<1x128x128xf32, #tpu.memory_space<vmem>> -> memref<128x128xf32, #tpu.memory_space<vmem>>
    %dma_wait3A_57 = arith.constant 25088 : i32
    %dma_wait3A_58 = arith.constant 0 : i32
    %dma_wait3A_59 = tpu.memref_slice %arg4[%add3A, %dma_wait3A_57, %dma_wait3A_58] : memref<32x25600x128xf32, #tpu.memory_space<hbm>> -> memref<1x128x128xf32, #tpu.memory_space<hbm>>
    %dma_wait3A_60 = tpu.memref_squeeze %dma_wait3A_59 : memref<1x128x128xf32, #tpu.memory_space<hbm>> -> memref<128x128xf32, #tpu.memory_space<hbm>>
    %dma_wait3A_61 = arith.constant 25088 : i32
    %dma_wait3A_62 = arith.constant 0 : i32
    %dma_wait3A_63 = tpu.memref_slice %arg4[%add3A, %dma_wait3A_61, %dma_wait3A_62] : memref<32x25600x128xf32, #tpu.memory_space<hbm>> -> memref<1x128x128xf32, #tpu.memory_space<hbm>>
    %dma_wait3A_64 = tpu.memref_squeeze %dma_wait3A_63 : memref<1x128x128xf32, #tpu.memory_space<hbm>> -> memref<128x128xf32, #tpu.memory_space<hbm>>
    %dma_wait3A_65 = arith.constant 0 : i32
    %dma_wait3A_66 = arith.constant 0 : i32
    %dma_wait3A_67 = tpu.memref_slice %arg6[%dma_wait3A, %dma_wait3A_65, %dma_wait3A_66] : memref<4x128x128xf32, #tpu.memory_space<vmem>> -> memref<1x128x128xf32, #tpu.memory_space<vmem>>
    %dma_wait3A_68 = tpu.memref_squeeze %dma_wait3A_67 : memref<1x128x128xf32, #tpu.memory_space<vmem>> -> memref<128x128xf32, #tpu.memory_space<vmem>>
    tpu.wait_dma2 semaphore(%arg11 : memref<!tpu.dma_semaphore, #tpu.memory_space<semaphore_mem>>) src(%dma_wait3A_68 : memref<128x128xf32, #tpu.memory_space<vmem>>) dst(%dma_wait3A_64 : memref<128x128xf32, #tpu.memory_space<hbm>>)
    %dma_wait3A_69 = arith.constant 1 : i32
    %dma_wait3A_70 = arith.constant 0 : i32
    %dma_wait3A_71 = arith.constant 0 : i32
    %dma_wait3A_72 = tpu.memref_slice %arg6[%dma_wait3A_69, %dma_wait3A_70, %dma_wait3A_71] : memref<4x128x128xf32, #tpu.memory_space<vmem>> -> memref<1x128x128xf32, #tpu.memory_space<vmem>>
    %dma_wait3A_73 = tpu.memref_squeeze %dma_wait3A_72 : memref<1x128x128xf32, #tpu.memory_space<vmem>> -> memref<128x128xf32, #tpu.memory_space<vmem>>
    %dma_wait3A_74 = arith.constant 25216 : i32
    %dma_wait3A_75 = arith.constant 0 : i32
    %dma_wait3A_76 = tpu.memref_slice %arg4[%add3A, %dma_wait3A_74, %dma_wait3A_75] : memref<32x25600x128xf32, #tpu.memory_space<hbm>> -> memref<1x128x128xf32, #tpu.memory_space<hbm>>
    %dma_wait3A_77 = tpu.memref_squeeze %dma_wait3A_76 : memref<1x128x128xf32, #tpu.memory_space<hbm>> -> memref<128x128xf32, #tpu.memory_space<hbm>>
    %dma_wait3A_78 = arith.constant 25216 : i32
    %dma_wait3A_79 = arith.constant 0 : i32
    %dma_wait3A_80 = tpu.memref_slice %arg4[%add3A, %dma_wait3A_78, %dma_wait3A_79] : memref<32x25600x128xf32, #tpu.memory_space<hbm>> -> memref<1x128x128xf32, #tpu.memory_space<hbm>>
    %dma_wait3A_81 = tpu.memref_squeeze %dma_wait3A_80 : memref<1x128x128xf32, #tpu.memory_space<hbm>> -> memref<128x128xf32, #tpu.memory_space<hbm>>
    %dma_wait3A_82 = arith.constant 0 : i32
    %dma_wait3A_83 = arith.constant 0 : i32
    %dma_wait3A_84 = tpu.memref_slice %arg6[%dma_wait3A_69, %dma_wait3A_82, %dma_wait3A_83] : memref<4x128x128xf32, #tpu.memory_space<vmem>> -> memref<1x128x128xf32, #tpu.memory_space<vmem>>
    %dma_wait3A_85 = tpu.memref_squeeze %dma_wait3A_84 : memref<1x128x128xf32, #tpu.memory_space<vmem>> -> memref<128x128xf32, #tpu.memory_space<vmem>>
    tpu.wait_dma2 semaphore(%arg12 : memref<!tpu.dma_semaphore, #tpu.memory_space<semaphore_mem>>) src(%dma_wait3A_85 : memref<128x128xf32, #tpu.memory_space<vmem>>) dst(%dma_wait3A_81 : memref<128x128xf32, #tpu.memory_space<hbm>>)
    %dma_wait3A_86 = arith.constant 2 : i32
    %dma_wait3A_87 = arith.constant 0 : i32
    %dma_wait3A_88 = arith.constant 0 : i32
    %dma_wait3A_89 = tpu.memref_slice %arg6[%dma_wait3A_86, %dma_wait3A_87, %dma_wait3A_88] : memref<4x128x128xf32, #tpu.memory_space<vmem>> -> memref<1x128x128xf32, #tpu.memory_space<vmem>>
    %dma_wait3A_90 = tpu.memref_squeeze %dma_wait3A_89 : memref<1x128x128xf32, #tpu.memory_space<vmem>> -> memref<128x128xf32, #tpu.memory_space<vmem>>
    %dma_wait3A_91 = arith.constant 25344 : i32
    %dma_wait3A_92 = arith.constant 0 : i32
    %dma_wait3A_93 = tpu.memref_slice %arg4[%add3A, %dma_wait3A_91, %dma_wait3A_92] : memref<32x25600x128xf32, #tpu.memory_space<hbm>> -> memref<1x128x128xf32, #tpu.memory_space<hbm>>
    %dma_wait3A_94 = tpu.memref_squeeze %dma_wait3A_93 : memref<1x128x128xf32, #tpu.memory_space<hbm>> -> memref<128x128xf32, #tpu.memory_space<hbm>>
    %dma_wait3A_95 = arith.constant 25344 : i32
    %dma_wait3A_96 = arith.constant 0 : i32
    %dma_wait3A_97 = tpu.memref_slice %arg4[%add3A, %dma_wait3A_95, %dma_wait3A_96] : memref<32x25600x128xf32, #tpu.memory_space<hbm>> -> memref<1x128x128xf32, #tpu.memory_space<hbm>>
    %dma_wait3A_98 = tpu.memref_squeeze %dma_wait3A_97 : memref<1x128x128xf32, #tpu.memory_space<hbm>> -> memref<128x128xf32, #tpu.memory_space<hbm>>
    %dma_wait3A_99 = arith.constant 0 : i32
    %dma_wait3A_100 = arith.constant 0 : i32
    %dma_wait3A_101 = tpu.memref_slice %arg6[%dma_wait3A_86, %dma_wait3A_99, %dma_wait3A_100] : memref<4x128x128xf32, #tpu.memory_space<vmem>> -> memref<1x128x128xf32, #tpu.memory_space<vmem>>
    %dma_wait3A_102 = tpu.memref_squeeze %dma_wait3A_101 : memref<1x128x128xf32, #tpu.memory_space<vmem>> -> memref<128x128xf32, #tpu.memory_space<vmem>>
    tpu.wait_dma2 semaphore(%arg13 : memref<!tpu.dma_semaphore, #tpu.memory_space<semaphore_mem>>) src(%dma_wait3A_102 : memref<128x128xf32, #tpu.memory_space<vmem>>) dst(%dma_wait3A_98 : memref<128x128xf32, #tpu.memory_space<hbm>>)
    %dma_wait3A_103 = arith.constant 3 : i32
    %dma_wait3A_104 = arith.constant 0 : i32
    %dma_wait3A_105 = arith.constant 0 : i32
    %dma_wait3A_106 = tpu.memref_slice %arg6[%dma_wait3A_103, %dma_wait3A_104, %dma_wait3A_105] : memref<4x128x128xf32, #tpu.memory_space<vmem>> -> memref<1x128x128xf32, #tpu.memory_space<vmem>>
    %dma_wait3A_107 = tpu.memref_squeeze %dma_wait3A_106 : memref<1x128x128xf32, #tpu.memory_space<vmem>> -> memref<128x128xf32, #tpu.memory_space<vmem>>
    %dma_wait3A_108 = arith.constant 25472 : i32
    %dma_wait3A_109 = arith.constant 0 : i32
    %dma_wait3A_110 = tpu.memref_slice %arg4[%add3A, %dma_wait3A_108, %dma_wait3A_109] : memref<32x25600x128xf32, #tpu.memory_space<hbm>> -> memref<1x128x128xf32, #tpu.memory_space<hbm>>
    %dma_wait3A_111 = tpu.memref_squeeze %dma_wait3A_110 : memref<1x128x128xf32, #tpu.memory_space<hbm>> -> memref<128x128xf32, #tpu.memory_space<hbm>>
    %dma_wait3A_112 = arith.constant 25472 : i32
    %dma_wait3A_113 = arith.constant 0 : i32
    %dma_wait3A_114 = tpu.memref_slice %arg4[%add3A, %dma_wait3A_112, %dma_wait3A_113] : memref<32x25600x128xf32, #tpu.memory_space<hbm>> -> memref<1x128x128xf32, #tpu.memory_space<hbm>>
    %dma_wait3A_115 = tpu.memref_squeeze %dma_wait3A_114 : memref<1x128x128xf32, #tpu.memory_space<hbm>> -> memref<128x128xf32, #tpu.memory_space<hbm>>
    %dma_wait3A_116 = arith.constant 0 : i32
    %dma_wait3A_117 = arith.constant 0 : i32
    %dma_wait3A_118 = tpu.memref_slice %arg6[%dma_wait3A_103, %dma_wait3A_116, %dma_wait3A_117] : memref<4x128x128xf32, #tpu.memory_space<vmem>> -> memref<1x128x128xf32, #tpu.memory_space<vmem>>
    %dma_wait3A_119 = tpu.memref_squeeze %dma_wait3A_118 : memref<1x128x128xf32, #tpu.memory_space<vmem>> -> memref<128x128xf32, #tpu.memory_space<vmem>>
    tpu.wait_dma2 semaphore(%arg14 : memref<!tpu.dma_semaphore, #tpu.memory_space<semaphore_mem>>) src(%dma_wait3A_119 : memref<128x128xf32, #tpu.memory_space<vmem>>) dst(%dma_wait3A_115 : memref<128x128xf32, #tpu.memory_space<hbm>>)
    return
  }
}

</mosaic_0001>

<sc_bundles>
// kernel: kernel.3.cloned.1.call-start
scs
__scs_entry_jumppad:
0x0: {  	(pc) =	sbr.rel $0x88, $3  }
0x1: {  	(tag) =	ssettag $0x0;
	lr =	simm.s32 $0x1  }
0x2: {  	[smem:$0x3F9F] =	sst lr;
	_ =	strace $0xD0000000  }
0x3: {  	_ = 	snop  }
0x4: {  	_ = 	snop  }
0x5: {  	_ = 	snop  }
0x6: {  	_ = 	snop  }
0x7: {  	_ = 	snop  }
__scs_overlays_trampoline_lowered:
0x8: {  	[smem:$0x3FAE] =	sst s0  }
0x9: {  	[smem:$0x3FAF] =	sst s1  }
0xa: {  	[smem:$0x3FB0] =	sst s2  }
0xb: {  	[smem:$0x3FB1] =	sst s3  }
0xc: {  	[smem:$0x3FB2] =	sst s4  }
0xd: {  	[smem:$0x3FB3] =	sst s5  }
0xe: {  	[smem:$0x3FB4] =	sst s6  }
0xf: {  	[smem:$0x3FB5] =	sst s7  }
0x10: {  	[smem:$0x3FB6] =	sst s8  }
0x11: {  	[smem:$0x3FB7] =	sst s9;
	s0 =	simm.s32 @!p0 $0x0  }
0x12: {  	s1 =	sld [smem:$0x3F9D];
	s0 =	simm.s32 @p0 $0x1  }
0x13: {  	[smem:$0x3FB8] =	sst s0;
	s0 =	simm.s32 @!p1 $0x0  }
0x14: {  	s2 =	sld [smem:$0x3F9C];
	s0 =	simm.s32 @p1 $0x1  }
0x15: {  	[smem:$0x3FB9] =	sst s0;
	s0 =	simm.s32 @!p2 $0x0  }
0x16: {  	s3 =	sld [smem:$0x3FDB];
	s0 =	simm.s32 @p2 $0x1  }
0x17: {  	s4 =	simm.s32 $0x1BF5;
	[smem:$0x3FBB] =	sst s0  }
0x18: {  	s0 =	sld [smem:$0x3F9E];
	_ =	swait.ge [sflag:s4], $0x0  }
0x19: {  	s7 =	sld [smem:$0x3F9F]  }
0x1a: {  	s8 =	sadd.s32 $0xFFFFE003, lr  }
0x1b: {  	s9 =	sadd.s32 $0xFFFFFEF7, lr;
	s5 =	simm.s32 $0xFFFFFFFF;
	p2 =	slt.u32 s8, $0xFFFFF086  }
0x1c: {  	p1 =	slt.u32 s9, $0xF7A;
	s5 =	simm.s32 @!p2 $0x0  }
0x1d: {  	s5 =	simm.s32 @p1 $0x1;
	p0 =	seq.s32 s7, s2  }
0x1e: {  	s7 =	smul.u32 @!p0 $0xF7A, s2;
	p2 =	seq.s32 @!p0 s5, $0x0  }
0x1f: {  	s9 =	smul.u32 $0xF7A, s1;
	s8 =	simm.s32 @!p0 $0x1BF5;
	p2 =	por !p2, p0  }
0x20: {  	[sflag:s8] =	ssyncset.s32 @!p0 $0xFFFFF086;
	s6 =	sadd.s32 @!p0 s3, s7;
	s7 =	simm.s32 @!p0 $0x108  }
0x21: {  	s3 =	sadd.s32 s3, s9;
	s6 =	sadd.s32 @!p0 $0x88, s6;
	s7 =	simm.s32 @p2 $0x1082  }
0x22: {  	[simem:s7], [sflag:s8] =	dma.local @!p0 [hbm:s6], $0xF7A  }
0x23: {  	s9 =	sor.u32 $0xD0000000, s2;
	s6 =	simm.s32 $0x108;
	_ =	swait.ge @!p0 [sflag:s8], $0x0  }
0x24: {  	s3 =	sadd.s32 $0x88, s3;
	s6 =	simm.s32 @!p1 $0x1082;
	[sflag:s4] =	ssyncset.s32 $0xFFFFF086  }
0x25: {  	[simem:s6], [sflag:s4] =	dma.local [hbm:s3], $0xF7A  }
0x26: {  	[smem:$0x3F9F] =	sst s1;
	(tag) =	ssettag s2;
	_ =	strace s9  }
0x27: {  	s1 =	sld [smem:$0x3FAF]  }
0x28: {  	s2 =	sld [smem:$0x3FB0]  }
0x29: {  	s4 =	sld [smem:$0x3FB2]  }
0x2a: {  	p0 =	seq.s32 s5, $0x0;
	s5 =	sld [smem:$0x3FB3]  }
0x2b: {  	s6 =	sld [smem:$0x3FB4]  }
0x2c: {  	s7 =	sld [smem:$0x3FB5]  }
0x2d: {  	s3 =	simm.s32 $0x108;
	s8 =	sld [smem:$0x3FB6]  }
0x2e: {  	s3 =	simm.s32 @!p0 $0x1082;
	s9 =	sld [smem:$0x3FB7]  }
0x2f: {  	lr =	sadd.s32 s0, s3;
	s0 =	sld [smem:$0x3FAE]  }
0x30: {  	s3 =	sld [smem:$0x3FB1]  }
0x31: {  	[smem:$0x3FBA] =	sst s10  }
0x32: {  	s10 =	sld [smem:$0x3FB8];
	_ =	sdelay $0x3  }
0x33: {  	p0 =	seq.s32 s10, $0x1;
	s10 =	sld [smem:$0x3FBA];
	_ =	sdelay $0x3  }
0x34: {  	[smem:$0x3FBA] =	sst s10  }
0x35: {  	s10 =	sld [smem:$0x3FB9];
	_ =	sdelay $0x3  }
0x36: {  	p1 =	seq.s32 s10, $0x1;
	s10 =	sld [smem:$0x3FBA];
	_ =	sdelay $0x3  }
0x37: {  	[smem:$0x3FBA] =	sst s10  }
0x38: {  	s10 =	sld [smem:$0x3FBB]  }
0x39: {  	_ = 	snop;
	(pc) =	sbr.ind lr, $3  }
0x3a: {  	_ = 	snop  }
0x3b: {  	_ = 	snop  }
0x3c: {  	p2 =	seq.s32 s10, $0x1;
	s10 =	sld [smem:$0x3FBA]  }
0x3d: {  	_ =	shalt  }
0x3e: {  	_ =	shalt  }
0x3f: {  	_ =	shalt  }
0x40: {  	_ =	shalt  }
0x41: {  	_ =	shalt  }
0x42: {  	_ =	shalt  }
0x43: {  	_ =	shalt  }
0x44: {  	_ =	shalt  }
0x45: {  	_ =	shalt  }
0x46: {  	_ =	shalt  }
0x47: {  	_ =	shalt  }
0x48: {  	_ =	shalt  }
0x49: {  	_ =	shalt  }
0x4a: {  	_ =	shalt  }
0x4b: {  	_ =	shalt  }
0x4c: {  	_ =	shalt  }
0x4d: {  	_ =	shalt  }
0x4e: {  	_ =	shalt  }
0x4f: {  	_ =	shalt  }
0x50: {  	_ =	shalt  }
0x51: {  	_ =	shalt  }
0x52: {  	_ =	shalt  }
0x53: {  	_ =	shalt  }
0x54: {  	_ =	shalt  }
0x55: {  	_ =	shalt  }
0x56: {  	_ =	shalt  }
0x57: {  	_ =	shalt  }
0x58: {  	_ =	shalt  }
0x59: {  	_ =	shalt  }
0x5a: {  	_ =	shalt  }
0x5b: {  	_ =	shalt  }
0x5c: {  	_ =	shalt  }
0x5d: {  	_ =	shalt  }
0x5e: {  	_ =	shalt  }
0x5f: {  	_ =	shalt  }
0x60: {  	_ =	shalt  }
0x61: {  	_ =	shalt  }
0x62: {  	_ =	shalt  }
0x63: {  	_ =	shalt  }
0x64: {  	_ =	shalt  }
0x65: {  	_ =	shalt  }
0x66: {  	_ =	shalt  }
0x67: {  	_ =	shalt  }
0x68: {  	_ =	shalt  }
0x69: {  	_ =	shalt  }
0x6a: {  	_ =	shalt  }
0x6b: {  	_ =	shalt  }
0x6c: {  	_ =	shalt  }
0x6d: {  	_ =	shalt  }
0x6e: {  	_ =	shalt  }
0x6f: {  	_ =	shalt  }
0x70: {  	_ =	shalt  }
0x71: {  	_ =	shalt  }
0x72: {  	_ =	shalt  }
0x73: {  	_ =	shalt  }
0x74: {  	_ =	shalt  }
0x75: {  	_ =	shalt  }
0x76: {  	_ =	shalt  }
0x77: {  	_ =	shalt  }
0x78: {  	_ =	shalt  }
0x79: {  	_ =	shalt  }
0x7a: {  	_ =	shalt  }
0x7b: {  	_ =	shalt  }
0x7c: {  	_ =	shalt  }
0x7d: {  	_ =	shalt  }
0x7e: {  	_ =	shalt  }
0x7f: {  	_ =	shalt  }
0x80: {  	_ =	shalt  }
0x81: {  	_ =	shalt  }
0x82: {  	_ =	shalt  }
0x83: {  	_ =	shalt  }
0x84: {  	_ =	shalt  }
0x85: {  	_ =	shalt  }
0x86: {  	_ =	shalt  }
0x87: {  	_ =	shalt  }
.Lfunc_end0:
.L_simem_size_0:
called_computation_lowered:
.L_overlay_start_0:
0x88: {  	s2 =	sld [smem:$0x3FD9]  }
0x89: {  	s3 =	sld [smem:$0x3FFE];
	_ =	sdelay $0x1  }
0x8a: {  	s1 =	srdreg.scid  }
0x8b: {  	s0 =	sand.u32 $0x1, s1  }
0x8c: {  	s17 =	sshll.u32 s0, $0xA;
	s2 =	sadd.s32 s3, s2  }
0x8d: {  	s2 =	sadd.s32 s2, s17  }
0x8e: {  	[smem:$0x3FC6] =	sst s2  }
0x8f: {  	_ = 	snop  }
0x90: {  	s2 =	sld [smem:$0x3FC8]  }
0x91: {  	s18 =	sld [smem:$0x3FD0];
	(tm) =	ssettm $0x1  }
0x92: {  	s4 =	sld [smem:$0x3FFB];
	_ =	sdelay $0x3  }
0x93: {  	_ =	strace s4  }
0x94: {  	s4 =	sld [smem:$0x3FFC];
	_ =	sdelay $0x3  }
0x95: {  	_ =	strace s4  }
0x96: {  	s4 =	sld [smem:$0x3FFD];
	_ =	sdelay $0x3  }
0x97: {  	_ =	strace s4  }
0x98: {  	_ =	strace $0x8FFFFFFF  }
0x99: {  	s19 =	sld [smem:$0x3FDB];
	_ =	sdelay $0x1  }
0x9a: {  	s5 =	simm.s32 $_scs_section_size  }
0x9b: {  	s6 =	simm.s32 $_size__tile_overlayer_lowered;
	s7 =	simm.s32 $_tile_overlayer_lowered  }
0x9c: {  	s22 =	simm.s32 $0x1BFF;
	s21 =	sshll.u32 s7, $0x1;
	s4 =	sadd.s32 s5, s19  }
0x9d: {  	s8 =	simm.s32 $0x0;
	s20 =	sshll.u32 s6, $0x1;
	s6 =	sadd.s32 s21, s4  }
0x9e: {  	[timem:s8], [sflag:s22] =	dma.local [hbm:s6], s20  }
0x9f: {  	_ =	swait.ge [sflag:s22], s20  }
0xa0: {  	s5 =	ssub.s32 $0x0, s20;
	[sflag:s22] =	ssyncset.done $0x0  }
0xa1: {  	[sflag:s22] =	ssyncadd.s32 s5;
	_ =	sdelay $0x1  }
0xa2: {  	s23 =	simm.s32 $0x1B8B  }
0xa3: {  	_ =	swait.ge [sflag:s23], $0x1  }
0xa4: {  	[sflag:s23] =	ssyncset.done $0x0  }
0xa5: {  	s25 =	simm.s32 $0x1B8E;
	s24 =	sld [smem:$0x3FFE];
	[sflag:s23] =	ssyncadd.s32 $0xFFFFFFFF  }
0xa6: {  	s26 =	simm.s32 $execute0_lowered;
	[smem:$0x3FD2] =	sst s25  }
0xa7: {  	s6 =	sshll.u32 s26, $0x1;
	_ =	strace $0x80000046;
	[dreg:$0x1] =	wrdreg $0xFFFFFFFF  }
0xa8: {  	s28 =	simm.s32 $_size_execute0_lowered;
	s4 =	sadd.s32 s4, s6;
	[dreg:$0x0] =	wrdreg $0x0  }
0xa9: {  	s6 =	sshll.u32 s28, $0x1;
	[dreg:$0x2] =	wrdreg s4  }
0xaa: {  	[dreg:$0x3] =	wrdreg s6  }
0xab: {  	[dreg:$0x4] =	wrdreg $0xC0  }
0xac: {  	_ =	task [dreg:s8], $0x5FFFF  }
0xad: {  	[dreg:$0x1] =	wrdreg $0xFFFFFFFF  }
0xae: {  	[dreg:$0x0] =	wrdreg $0x60  }
0xaf: {  	[dreg:$0x2] =	wrdreg s24  }
0xb0: {  	[dreg:$0x3] =	wrdreg s2  }
0xb1: {  	[dreg:$0x4] =	wrdreg s18  }
0xb2: {  	[dreg:$0x5] =	wrdreg $0x9  }
0xb3: {  	_ =	task.clear_ibuf [dreg:s8], $0x6FFFF;
	_ =	strace $0x90000046  }
0xb4: {  	s29 =	simm.s32 $0x9;
	_ =	strace $0x80000048  }
0xb5: {  	_ =	swait.ge [sflag:s29], $0x1  }
0xb6: {  	[sflag:s29] =	ssyncadd.s32 $0xFFFFFFFF  }
0xb7: {  	_ =	strace $0x90000048  }
0xb8: {  	_ =	sfence  }
0xb9: {  	s30 =	sld [smem:$0x0];
	_ =	sdelay $0x2  }
0xba: {  	s31 =	sshll.u32 s1, $0xD;
	s1 =	sshrl.u32 s1, $0x2  }
0xbb: {  	s3 =	sand.u32 $0x4000, s31;
	s1 =	sadd.s32 s1, s30  }
0xbc: {  	s0 =	sor.u32 s3, s0;
	s1 =	sshll.u32 s1, $0x11  }
0xbd: {  	s0 =	sor.u32 s1, s0  }
0xbe: {  	s0 =	sadd.s32 $0x8F2B, s0  }
0xbf: {  	[sflag:s0] =	ssyncadd.remote.s32 $0x1  }
0xc0: {  	_ =	sfence.sel $0xFFFF  }
0xc1: {  	[dreg:$0x0] =	wrdreg $0xFFFFFFFF;
	(pc) =	sbr.abs _section_cstart, $3  }
0xc2: {  	[dreg:$0x1] =	wrdreg $0xFFFFFFFF  }
0xc3: {  	_ =	task.clear_ibuf [dreg:s8], $0x2FFFF;
	_ =	strace $0x9FFFFFFF  }
0xc4: {  	(tm) =	ssettm $0x7FFFFFFF  }
0xc5: {  	_ =	shalt  }
tec
execute0_lowered:
.L_overlay_start_1:
0x0: {  	(tag) =	ssettag $0x1  }
0x1: {  	s0 =	rddreg [dreg:$0x0]  }
0x2: {  	s2 =	rddreg [dreg:$0x1];
	s1 =	srdreg.scid  }
0x3: {  	s8 =	stileid.u32;
	s4 =	rddreg [dreg:$0x2];
	s3 =	simm.s32 $0x0  }
0x4: {  	s14 =	simm.s32 $0x9;
	s15 =	simm.s32 $0x80;
	s16 =	simm.s32 $0x6400  }
0x5: {  	s17 =	simm.s32 $0xA400;
	s28 =	simm.s32 $0x6;
	s29 =	simm.s32 $0x7  }
0x6: {  	s1 =	sand.u32 $0x1, s1;
	s5 =	sshll.u32 s8, $0x1;
	s8 =	smul.u32 $0x640000, s8  }
0x7: {  	s5 =	sor.u32 s1, s5;
	s7 =	ssub.s32 $0x2, s1;
	s1 =	smul.u32 $0x320000, s1  }
0x8: {  	s30 =	simm.s32 $0x8;
	[smem:$0x7FF] =	sst s3;
	s6 =	smul.u32 $0xC80, s5  }
0x9: {  	s31 =	simm.s32 $0x0;
	_ =	strace $0x80000047;
	s5 =	smul.u32 $0x320000, s5  }
0xa: {  	s19 =	sshrl.u32 s7, $0x1;
	s1 =	sadd.s32 s1, s8;
	s0 =	sadd.s32 s6, s0  }
0xb: {  	s6 =	ssub.s32 s7, s19;
	s5 =	sshrl.u32 s5, $0x3;
	s22 =	sor.u32 $0xC000, s1  }
0xc: {  	s23 =	sor.u32 $0x8000, s1;
	s11 =	sor.u32 $0x4000, s1;
	s26 =	sshrl.u32 s1, $0x3  }
0xd: {  	s19 =	simm.s32 $0xE400;
	s0 =	sadd.s32 $0x400, s0;
	s20 =	smax.u32 s6, $0x1  }
0xe: {  	s21 =	sadd.s32 s4, s5;
	s24 =	sshrl.u32 s23, $0x3;
	s25 =	sshrl.u32 s11, $0x3  }
0xf: {  	s13 =	sadd.s32 s26, s4;
	s23 =	simm.s32 $0x2;
	[dreg:$0x4] =	wrdreg s0  }
0x10: {  	s26 =	simm.s32 $0x5;
	[dreg:$0x5] =	wrdreg s20;
	s5 =	sadd.s32 $0x62000, s21  }
0x11: {  	s7 =	sadd.s32 $0x62800, s21;
	s8 =	sadd.s32 $0x63000, s21;
	s9 =	sadd.s32 $0x63800, s21  }
0x12: {  	s0 =	sshrl.u32 s22, $0x3;
	s11 =	sadd.s32 s24, s4;
	s12 =	sadd.s32 s25, s4  }
0x13: {  	s21 =	simm.s32 $0x12400;
	s22 =	simm.s32 $0x1;
	s24 =	simm.s32 $0x3  }
0x14: {  	s25 =	simm.s32 $0x4;
	[dreg:$0x6] =	wrdreg s5;
	s10 =	sadd.s32 s0, s4  }
.LBB2_1:
0x15: {  	s0 =	rddreg [dreg:$0x4]  }
0x16: {  	[tilespmem:s3], [sflag:$0x9] =	stream.linear.gather [hbm4b:s0+s3], $0x6400, $0x38;
	[tilespmem:$0x16400] =	vst v63  }
0x17: {  	_ =	swait.ge [sflag:s14], $0x6400  }
0x18: {  	[sflag:s14] =	ssyncset.done $0x0  }
0x19: {  	[sflag:s14] =	ssyncadd.s32 $0xFFFF9C00  }
0x1a: {  	[tilespmem:s16], [sflag:$0x1] =	stream.indirect.gather [hbm4b:s2+s15], $0x80, s3, s15, $0xb8;
	[tilespmem:$0x16400] =	vst v63  }
0x1b: {  	_ = 	snop  }
0x1c: {  	[tilespmem:s17], [sflag:$0x2] =	stream.indirect.gather [hbm4b:s2+s15], $0x80, s15, s15, $0xb8;
	[tilespmem:$0x16400] =	vst v63  }
0x1d: {  	s4 =	simm.s32 $0x100  }
0x1e: {  	[tilespmem:s19], [sflag:$0x3] =	stream.indirect.gather [hbm4b:s2+s15], $0x80, s4, s15, $0xb8;
	[tilespmem:$0x16400] =	vst v63  }
0x1f: {  	s5 =	simm.s32 $0x180  }
0x20: {  	[tilespmem:s21], [sflag:$0x4] =	stream.indirect.gather [hbm4b:s2+s15], $0x80, s5, s15, $0xb8;
	[tilespmem:$0x16400] =	vst v63  }
0x21: {  	_ =	swait.ge [sflag:s22], $0x4000  }
0x22: {  	[sflag:s22] =	ssyncset.done $0x0  }
0x23: {  	[sflag:s22] =	ssyncadd.s32 $0xFFFFC000  }
0x24: {  	[hbm4b:s13+s3] =	stream.linear.scatter [tilespmem:s16], [sflag:$0x5], $0x4000, $0x38;
	[tilespmem:$0x16400] =	vst v63  }
0x25: {  	_ =	swait.ge [sflag:s23], $0x4000  }
0x26: {  	[sflag:s23] =	ssyncset.done $0x0  }
0x27: {  	[sflag:s23] =	ssyncadd.s32 $0xFFFFC000  }
0x28: {  	[hbm4b:s12+s3] =	stream.linear.scatter [tilespmem:s17], [sflag:$0x6], $0x4000, $0x38;
	[tilespmem:$0x16400] =	vst v63  }
0x29: {  	_ =	swait.ge [sflag:s24], $0x4000  }
0x2a: {  	[sflag:s24] =	ssyncset.done $0x0  }
0x2b: {  	[sflag:s24] =	ssyncadd.s32 $0xFFFFC000  }
0x2c: {  	[hbm4b:s11+s3] =	stream.linear.scatter [tilespmem:s19], [sflag:$0x7], $0x4000, $0x38;
	[tilespmem:$0x16400] =	vst v63  }
0x2d: {  	_ =	swait.ge [sflag:s25], $0x4000  }
0x2e: {  	[sflag:s25] =	ssyncset.done $0x0  }
0x2f: {  	[sflag:s25] =	ssyncadd.s32 $0xFFFFC000  }
0x30: {  	[hbm4b:s10+s3] =	stream.linear.scatter [tilespmem:s21], [sflag:$0x8], $0x4000, $0x38;
	[tilespmem:$0x16400] =	vst v63  }
0x31: {  	_ =	swait.ge [sflag:s26], $0x4000  }
0x32: {  	[sflag:s26] =	ssyncset.done $0x0  }
0x33: {  	s6 =	simm.s32 $0x200;
	[sflag:s26] =	ssyncadd.s32 $0xFFFFC000  }
0x34: {  	[tilespmem:s16], [sflag:$0x1] =	stream.indirect.gather [hbm4b:s2+s15], $0x80, s6, s15, $0xb8;
	[tilespmem:$0x16400] =	vst v63  }
0x35: {  	_ =	swait.ge [sflag:s28], $0x4000  }
0x36: {  	[sflag:s28] =	ssyncset.done $0x0  }
0x37: {  	s18 =	simm.s32 $0x280;
	[sflag:s28] =	ssyncadd.s32 $0xFFFFC000  }
0x38: {  	[tilespmem:s17], [sflag:$0x2] =	stream.indirect.gather [hbm4b:s2+s15], $0x80, s18, s15, $0xb8;
	[tilespmem:$0x16400] =	vst v63  }
0x39: {  	_ =	swait.ge [sflag:s29], $0x4000  }
0x3a: {  	[sflag:s29] =	ssyncset.done $0x0  }
0x3b: {  	s20 =	simm.s32 $0x300;
	[sflag:s29] =	ssyncadd.s32 $0xFFFFC000  }
0x3c: {  	[tilespmem:s19], [sflag:$0x3] =	stream.indirect.gather [hbm4b:s2+s15], $0x80, s20, s15, $0xb8;
	[tilespmem:$0x16400] =	vst v63  }
0x3d: {  	s1 =	simm.s32 $0x800;
	s0 =	sadd.s32 $0x2000, s13;
	_ =	swait.ge [sflag:s30], $0x4000  }
0x3e: {  	s4 =	sadd.s32 $0x2000, s10;
	s5 =	simm.s32 $0x380;
	[sflag:s30] =	ssyncset.done $0x0  }
0x3f: {  	s18 =	sadd.s32 $0x2000, s11;
	s20 =	sadd.s32 $0x2000, s12;
	[sflag:s30] =	ssyncadd.s32 $0xFFFFC000  }
.LBB2_2:
0x40: {  	[tilespmem:s21], [sflag:$0x4] =	stream.indirect.gather [hbm4b:s2+s15], $0x80, s5, s15, $0xb8;
	[tilespmem:$0x16400] =	vst v63  }
0x41: {  	s5 =	smov.u32 s1  }
0x42: {  	p0 =	sne.s32 s1, $0x18000;
	s1 =	sadd.s32 $0x800, s1;
	_ =	swait.ge [sflag:s22], $0x4000  }
0x43: {  	[sflag:s22] =	ssyncset.done $0x0  }
0x44: {  	[sflag:s22] =	ssyncadd.s32 $0xFFFFC000  }
0x45: {  	[hbm4b:s0+s3] =	stream.linear.scatter [tilespmem:s16], [sflag:$0x5], $0x4000, $0x38;
	[tilespmem:$0x16400] =	vst v63  }
0x46: {  	_ =	swait.ge [sflag:s23], $0x4000  }
0x47: {  	[sflag:s23] =	ssyncset.done $0x0  }
0x48: {  	[sflag:s23] =	ssyncadd.s32 $0xFFFFC000  }
0x49: {  	[hbm4b:s20+s3] =	stream.linear.scatter [tilespmem:s17], [sflag:$0x6], $0x4000, $0x38;
	[tilespmem:$0x16400] =	vst v63  }
0x4a: {  	_ =	swait.ge [sflag:s24], $0x4000  }
0x4b: {  	[sflag:s24] =	ssyncset.done $0x0  }
0x4c: {  	[sflag:s24] =	ssyncadd.s32 $0xFFFFC000  }
0x4d: {  	[hbm4b:s18+s3] =	stream.linear.scatter [tilespmem:s19], [sflag:$0x7], $0x4000, $0x38;
	[tilespmem:$0x16400] =	vst v63  }
0x4e: {  	_ =	swait.ge [sflag:s25], $0x4000  }
0x4f: {  	[sflag:s25] =	ssyncset.done $0x0  }
0x50: {  	[sflag:s25] =	ssyncadd.s32 $0xFFFFC000  }
0x51: {  	[hbm4b:s4+s3] =	stream.linear.scatter [tilespmem:s21], [sflag:$0x8], $0x4000, $0x38;
	[tilespmem:$0x16400] =	vst v63  }
0x52: {  	_ =	swait.ge [sflag:s26], $0x4000  }
0x53: {  	s5 =	sshra.s32 s5, $0x2;
	[sflag:s26] =	ssyncset.done $0x0  }
0x54: {  	s6 =	sadd.s32 $0x200, s5;
	[sflag:s26] =	ssyncadd.s32 $0xFFFFC000  }
0x55: {  	[tilespmem:s16], [sflag:$0x1] =	stream.indirect.gather [hbm4b:s2+s15], $0x80, s6, s15, $0xb8;
	[tilespmem:$0x16400] =	vst v63  }
0x56: {  	_ =	swait.ge [sflag:s28], $0x4000  }
0x57: {  	[sflag:s28] =	ssyncset.done $0x0  }
0x58: {  	s6 =	sadd.s32 $0x280, s5;
	[sflag:s28] =	ssyncadd.s32 $0xFFFFC000  }
0x59: {  	[tilespmem:s17], [sflag:$0x2] =	stream.indirect.gather [hbm4b:s2+s15], $0x80, s6, s15, $0xb8;
	[tilespmem:$0x16400] =	vst v63  }
0x5a: {  	_ =	swait.ge [sflag:s29], $0x4000  }
0x5b: {  	[sflag:s29] =	ssyncset.done $0x0  }
.Ltmp0:
0x5c: {  	s6 =	sadd.s32 $0x300, s5;
	[sflag:s29] =	ssyncadd.s32 $0xFFFFC000;
	(pc) =	sbr.rel @p0 .LBB2_2-.Ltmp0, $4  }
0x5d: {  	[tilespmem:s19], [sflag:$0x3] =	stream.indirect.gather [hbm4b:s2+s15], $0x80, s6, s15, $0xb8;
	[tilespmem:$0x16400] =	vst v63  }
0x5e: {  	s0 =	sadd.s32 $0x2000, s0;
	_ =	swait.ge [sflag:s30], $0x4000  }
0x5f: {  	s20 =	sadd.s32 $0x2000, s20;
	s18 =	sadd.s32 $0x2000, s18;
	[sflag:s30] =	ssyncset.done $0x0  }
0x60: {  	s4 =	sadd.s32 $0x2000, s4;
	s5 =	sadd.s32 $0x380, s5;
	[sflag:s30] =	ssyncadd.s32 $0xFFFFC000  }
0x61: {  	[tilespmem:s21], [sflag:$0x4] =	stream.indirect.gather [hbm4b:s2+s15], $0x80, s5, s15, $0xb8;
	[tilespmem:$0x16400] =	vst v63  }
0x62: {  	_ =	swait.ge [sflag:s22], $0x4000  }
0x63: {  	[sflag:s22] =	ssyncset.done $0x0  }
0x64: {  	s0 =	rddreg [dreg:$0x6];
	[sflag:s22] =	ssyncadd.s32 $0xFFFFC000  }
0x65: {  	[hbm4b:s0+s3] =	stream.linear.scatter [tilespmem:s16], [sflag:$0x5], $0x4000, $0x38;
	[tilespmem:$0x16400] =	vst v63  }
0x66: {  	_ =	swait.ge [sflag:s23], $0x4000  }
0x67: {  	[sflag:s23] =	ssyncset.done $0x0  }
0x68: {  	[sflag:s23] =	ssyncadd.s32 $0xFFFFC000  }
0x69: {  	[hbm4b:s7+s3] =	stream.linear.scatter [tilespmem:s17], [sflag:$0x6], $0x4000, $0x38;
	[tilespmem:$0x16400] =	vst v63  }
0x6a: {  	_ =	swait.ge [sflag:s24], $0x4000  }
0x6b: {  	[sflag:s24] =	ssyncset.done $0x0  }
0x6c: {  	[sflag:s24] =	ssyncadd.s32 $0xFFFFC000  }
0x6d: {  	[hbm4b:s8+s3] =	stream.linear.scatter [tilespmem:s19], [sflag:$0x7], $0x4000, $0x38;
	[tilespmem:$0x16400] =	vst v63  }
0x6e: {  	_ =	swait.ge [sflag:s25], $0x4000  }
0x6f: {  	[sflag:s25] =	ssyncset.done $0x0  }
0x70: {  	[sflag:s25] =	ssyncadd.s32 $0xFFFFC000  }
0x71: {  	[hbm4b:s9+s3] =	stream.linear.scatter [tilespmem:s21], [sflag:$0x8], $0x4000, $0x38;
	[tilespmem:$0x16400] =	vst v63  }
0x72: {  	_ =	swait.ge [sflag:s26], $0x4000  }
0x73: {  	[sflag:s26] =	ssyncset.done $0x0  }
0x74: {  	[sflag:s26] =	ssyncadd.s32 $0xFFFFC000  }
0x75: {  	_ =	swait.ge [sflag:s28], $0x4000  }
0x76: {  	[sflag:s28] =	ssyncset.done $0x0  }
0x77: {  	[sflag:s28] =	ssyncadd.s32 $0xFFFFC000  }
0x78: {  	_ =	swait.ge [sflag:s29], $0x4000  }
0x79: {  	[sflag:s29] =	ssyncset.done $0x0  }
0x7a: {  	[sflag:s29] =	ssyncadd.s32 $0xFFFFC000  }
0x7b: {  	_ =	swait.ge [sflag:s30], $0x4000  }
0x7c: {  	s31 =	sadd.s32 $0x1, s31;
	s20 =	rddreg [dreg:$0x5]  }
0x7d: {  	p0 =	sne.s32 s31, s20  }
.Ltmp1:
0x7e: {  	_ = 	snop;
	(pc) =	sbr.rel @p0 .LBB2_1-.Ltmp1, $3  }
0x7f: {  	_ =	sdelay $0x1  }
0x80: {  	[sflag:s30] =	ssyncset.done $0x0  }
0x81: {  	[sflag:s30] =	ssyncadd.s32 $0xFFFFC000  }
0x82: {  	_ =	sfence.sel $0x180000  }
0x83: {  	[bflag:$0x0] =	sbarrier.arrive $0xFFFF  }
0x84: {  	_ =	strace $0x90000047  }
0x85: {  	s0 =	stileid.u32;
	[bflag:$0x2] =	sbarrier.arrive $0xFFFF  }
0x86: {  	p0 =	sne.s32 s0, $0x0;
	s0 =	rddreg [dreg:$0x3]  }
0x87: {  	s0 =	sadd.s32 @!p0 $0x100000, s0  }
0x88: {  	[sflag:s0] =	ssyncadd.tile.s32 @!p0 $0x1;
	_ =	shalt  }
.Lfunc_end2:
_tile_overlayer_lowered:
.L_overlay_start_2:
0x89: {  	(tag) =	ssettag $0x2  }
0x8a: {  	s0 =	rddreg [dreg:$0x0];
	s2 =	stileid.u32  }
0x8b: {  	s1 =	rddreg [dreg:$0x1];
	p0 =	sne.s32 s2, $0x0  }
0x8c: {  	s3 =	rddreg [dreg:$0x2];
	[bflag:$0x3] =	sbarrier.arrive $0xFFFF;
	s2 =	simm.s32 @!p0 $0x1C09  }
0x8d: {  	[timem:s3], [sflag:s2] =	dma.local @!p0 [hbm:s0], s1  }
0x8e: {  	s0 =	simm.s32 @!p0 $0x9  }
0x8f: {  	_ =	swait.ge @!p0 [sflag:s0], s1  }
0x90: {  	s1 =	ssub.s32 @!p0 $0x0, s1;
	[sflag:s0] =	ssyncset.done @!p0 $0x0  }
0x91: {  	[sflag:s0] =	ssyncadd.s32 @!p0 s1  }
0x92: {  	[bflag:$0x3] =	sbarrier.arrive $0xFFFF  }
0x93: {  	_ =	shalt  }

</sc_bundles>
